<compile_context>
chip_gen: v7x
topology: tpu7x:2x2x1
jax: 0.10.2.dev20260603
libtpu: 0.0.44.dev20260713+nightly
codegen_flags: <defaults>
</compile_context>

<pallas_src>
import functools

import jax
import jax.numpy as jnp
from jax import lax
from jax.experimental import pallas as pl
from jax.experimental.pallas import tpu as pltpu
from jax.experimental.pallas import tpu_sc as plsc

N = 10000
D = 256
E = 160000

NC = 2
NS = 16
DH = D // NC

CH = 128
NCHUNK = 80
HC = NCHUNK // 2
EPT = NCHUNK * CH
E_PAD = NS * EPT
PAD = E_PAD - E

N_ACC = 10240
RZ = N_ACC // NS


def _sc_aggregate(xflat, src5, dst4, zrows, zdeg, ones_row):
  mesh = plsc.VectorSubcoreMesh(
      core_axis_name="c", subcore_axis_name="s", num_cores=NC,
      num_subcores=NS)

  @functools.partial(
      pl.kernel,
      out_type=(
          jax.ShapeDtypeStruct((NC, N_ACC, DH), jnp.float32),
          jax.ShapeDtypeStruct((NC, N_ACC), jnp.float32),
      ),
      mesh=mesh,
      scratch_types=[
          pltpu.VMEM((HC, CH), jnp.int32),
          pltpu.VMEM((HC, CH), jnp.int32),
          pltpu.VMEM((2, CH, DH), jnp.float32),
          pltpu.VMEM((CH,), jnp.float32),
          pltpu.VMEM_SHARED((N_ACC, DH), jnp.float32),
          pltpu.VMEM_SHARED((N_ACC,), jnp.float32),
          pltpu.SemaphoreType.DMA((2,)),
          pltpu.SemaphoreType.DMA((2,)),
          pltpu.SemaphoreType.DMA,
      ],
  )
  def k(xflat_h, src_h, dst_h, zr_h, zd_h, on_h, agg_h, deg_h,
        srcv, dstv, rows, onesv, acc, degs, gsem, ssem, dsem):
    c = lax.axis_index("c")
    s = lax.axis_index("s")

    pltpu.sync_copy(zr_h, acc.at[pl.ds(s * RZ, RZ)])
    pltpu.sync_copy(zd_h, degs.at[pl.ds(s * RZ, RZ)])
    pltpu.sync_copy(on_h, onesv)

    plsc.subcore_barrier()

    def gather(g, p):
      pltpu.async_copy(xflat_h.at[srcv.at[g]], rows.at[p], gsem.at[p])

    def wait_gather(g, p):
      pltpu.make_async_copy(xflat_h.at[srcv.at[g]], rows.at[p],
                            gsem.at[p]).wait()

    def scatter(g, p):
      pltpu.async_copy(rows.at[p], acc.at[dstv.at[g]], ssem.at[p], add=True)

    def wait_scatter(g, p):
      pltpu.make_async_copy(rows.at[p], acc.at[dstv.at[g]], ssem.at[p]).wait()

    for h in range(2):
      pltpu.sync_copy(src_h.at[c, s, h], srcv)
      pltpu.sync_copy(dst_h.at[s, h], dstv)

      gather(0, 0)

      def body(g, carry):
        p = g % 2

        @pl.when(g >= 1)
        def _():
          wait_scatter(g - 1, 1 - p)

        @pl.when(g + 1 < HC)
        def _():
          gather(g + 1, 1 - p)

        wait_gather(g, p)
        scatter(g, p)

        @pl.when(c == h)
        def _():
          pltpu.async_copy(onesv, degs.at[dstv.at[g]], dsem, add=True)

        return carry

      lax.fori_loop(0, HC, body, 0)
      wait_scatter(HC - 1, (HC - 1) % 2)

      @pl.when(c == h)
      def _():
        def drain(g, carry):
          pltpu.make_async_copy(onesv, degs.at[dstv.at[g]], dsem).wait()
          return carry

        lax.fori_loop(0, HC, drain, 0)

    plsc.subcore_barrier()

    pltpu.sync_copy(acc.at[pl.ds(s * RZ, RZ)],
                    agg_h.at[c, pl.ds(s * RZ, RZ)])
    pltpu.sync_copy(degs.at[pl.ds(s * RZ, RZ)],
                    deg_h.at[c, pl.ds(s * RZ, RZ)])

  return k(xflat, src5, dst4, zrows, zdeg, ones_row)


def _tc_body(x_ref, a_ref, deg_ref, ws_ref, wn_ref, b_ref, o_ref):
  h = jnp.dot(x_ref[...], ws_ref[...], preferred_element_type=jnp.float32)
  hn = jnp.dot(a_ref[0], wn_ref[0], preferred_element_type=jnp.float32)
  hn = hn + jnp.dot(a_ref[1], wn_ref[1], preferred_element_type=jnp.float32)
  deg = deg_ref[0] + deg_ref[1]
  scale = 1.0 / jnp.maximum(deg, 1.0)
  o_ref[...] = jnp.maximum(h + hn * scale + b_ref[...], 0.0)


def _tc_combine(x, agg, deg3, ws, wn2, b2):
  R = 1000
  return pl.pallas_call(
      _tc_body,
      grid=(N // R,),
      in_specs=[
          pl.BlockSpec((R, D), lambda i: (i, 0)),
          pl.BlockSpec((NC, R, DH), lambda i: (0, i, 0)),
          pl.BlockSpec((NC, R, 1), lambda i: (0, i, 0)),
          pl.BlockSpec((D, D), lambda i: (0, 0)),
          pl.BlockSpec((NC, DH, D), lambda i: (0, 0, 0)),
          pl.BlockSpec((1, D), lambda i: (0, 0)),
      ],
      out_specs=pl.BlockSpec((R, D), lambda i: (i, 0)),
      out_shape=jax.ShapeDtypeStruct((N, D), jnp.float32),
  )(x, agg, deg3, ws, wn2, b2)


def kernel(x, edge_index, W_self, W_neigh, b):
  src = edge_index[0].astype(jnp.int32)
  dst = edge_index[1].astype(jnp.int32)
  src_p = jnp.concatenate([src, jnp.zeros((PAD,), jnp.int32)])
  dst_p = jnp.concatenate([dst, jnp.full((PAD,), N, jnp.int32)])
  src5 = jnp.stack([2 * src_p, 2 * src_p + 1]).reshape(NC, NS, 2, HC, CH)
  dst4 = dst_p.reshape(NS, 2, HC, CH)
  xflat = x.reshape(NC * N, DH)

  zrows = jnp.zeros((RZ, DH), jnp.float32)
  zdeg = jnp.zeros((RZ,), jnp.float32)
  ones_row = jnp.ones((CH,), jnp.float32)

  agg, degp = _sc_aggregate(xflat, src5, dst4, zrows, zdeg, ones_row)

  deg3 = degp.reshape(NC, N_ACC, 1)
  wn2 = W_neigh.reshape(NC, DH, D)
  b2 = b.reshape(1, D)
  return _tc_combine(x, agg, deg3, W_self, wn2, b2)

# --- scband reference (transcript-rebuilt; emitter-appended) ---
"""Pipeline reference for scband-gcn-88828513616038 (READ-ONLY COPY).

The authoritative reference and input builder live on the scoring server;
editing this copy changes nothing except your own understanding.
"""

import jax, jax.numpy as jnp
import numpy as np

N_NODES = 10000
D_FEAT = 256
N_EDGES = 160000


def setup_inputs(seed: int = 0) -> dict:
    key = jax.random.key(seed)
    k1, k2, k3, k4 = jax.random.split(key, 4)
    x = jax.random.normal(k1, (N_NODES, D_FEAT), dtype=jnp.float32)
    edge_index = jax.random.randint(k2, (2, N_EDGES), 0, N_NODES, dtype=jnp.int64)
    # SAGEConv(mean) parameters: fc_self, fc_neigh, bias (Glorot-ish scale)
    scale = 1.0 / np.sqrt(D_FEAT)
    W_self = jax.random.normal(k3, (D_FEAT, D_FEAT), dtype=jnp.float32) * scale
    W_neigh = jax.random.normal(k4, (D_FEAT, D_FEAT), dtype=jnp.float32) * scale
    b = jnp.zeros((D_FEAT,), dtype=jnp.float32)
    return {"x": x, "edge_index": edge_index, "W_self": W_self, "W_neigh": W_neigh, "b": b}


def reference(x, edge_index, W_self, W_neigh, b):
    # Faithful translation of dgl HeteroGraphConv({'ui': SAGEConv(in, out, 'mean', activation=ReLU)})
    # on a single block: h_dst = ReLU(x_dst @ W_self + mean_{src->dst}(x_src) @ W_neigh + b)
    src = edge_index[0]
    dst = edge_index[1]
    n = x.shape[0]
    # mean aggregation over incoming neighbors (copy_u -> mean)
    msg = jnp.take(x, src, axis=0)                       # gather src features [E, d]
    agg = jax.ops.segment_sum(msg, dst, num_segments=n)  # scatter-add by dst  [N, d]
    deg = jax.ops.segment_sum(jnp.ones((src.shape[0],), dtype=x.dtype), dst, num_segments=n)
    h_neigh = agg / jnp.clip(deg, 1.0, None)[:, None]
    # SAGEConv: fc_self(h_self) + fc_neigh(h_neigh) + bias, then ReLU activation
    out = x @ W_self + h_neigh @ W_neigh + b
    return jax.nn.relu(out)

if __name__ == "__main__":
    import jax
    _d = setup_inputs()
    print(jax.jit(kernel)(*tuple(_d.values())))

</pallas_src>

<mosaic_0001>
#map = affine_map<(d0, d1) -> (0, 0)>
#map1 = affine_map<(d0, d1) -> (0, 0, 0, 0, 0)>
#map2 = affine_map<(d0, d1) -> (0, 0, 0, 0)>
#map3 = affine_map<(d0, d1) -> (0)>
#map4 = affine_map<(d0, d1) -> (0, 0, 0)>
module attributes {stable_mosaic.version = 14 : i64} {
  func.func @k(%arg0: i32, %arg1: i32, %arg2: memref<20000x128xf32, #tpu.memory_space<hbm>>, %arg3: memref<2x16x2x40x128xi32, #tpu.memory_space<hbm>>, %arg4: memref<16x2x40x128xi32, #tpu.memory_space<hbm>>, %arg5: memref<640x128xf32, #tpu.memory_space<hbm>>, %arg6: memref<640xf32, #tpu.memory_space<hbm>>, %arg7: memref<128xf32, #tpu.memory_space<hbm>>, %arg8: memref<2x10240x128xf32, #tpu.memory_space<hbm>>, %arg9: memref<2x10240xf32, #tpu.memory_space<hbm>>, %arg10: memref<40x128xi32, #tpu.memory_space<vmem>>, %arg11: memref<40x128xi32, #tpu.memory_space<vmem>>, %arg12: memref<2x128x128xf32, #tpu.memory_space<vmem>>, %arg13: memref<128xf32, #tpu.memory_space<vmem>>, %arg14: memref<10240x128xf32, #tpu.memory_space<vmem_shared>>, %arg15: memref<10240xf32, #tpu.memory_space<vmem_shared>>, %arg16: memref<2x!tpu.dma_semaphore, #tpu.memory_space<semaphore_mem>>, %arg17: memref<2x!tpu.dma_semaphore, #tpu.memory_space<semaphore_mem>>, %arg18: memref<!tpu.dma_semaphore, #tpu.memory_space<semaphore_mem>>) attributes {dimension_semantics = [#tpu.dimension_semantics<core_parallel>, #tpu.dimension_semantics<subcore_parallel>], iteration_bounds = array<i64: 2, 16>, scalar_prefetch = 0 : i64, scratch_operands = 9 : i64, tpu.core_type = #tpu.core_type<sc_vector_subcore>, window_params = [{transform_indices = #map}, {transform_indices = #map1}, {transform_indices = #map2}, {transform_indices = #map}, {transform_indices = #map3}, {transform_indices = #map3}, {transform_indices = #map4}, {transform_indices = #map}]} {
    %mul3A = arith.constant 640 : i32
    %mul3A_0 = arith.muli %arg1, %mul3A : i32
    "tpu.region"() ({
      %run_scoped3A_91 = tpu.sem_alloc : memref<!tpu.dma_semaphore, #tpu.memory_space<semaphore_mem>>
      %dma_start3A_92 = arith.constant 0 : i32
      %dma_start3A_93 = tpu.memref_slice %arg14[%mul3A_0, %dma_start3A_92] : memref<10240x128xf32, #tpu.memory_space<vmem_shared>> -> memref<640x128xf32, #tpu.memory_space<vmem_shared>>
      tpu.enqueue_dma source(%arg5 : memref<640x128xf32, #tpu.memory_space<hbm>>) target(%dma_start3A_93 : memref<640x128xf32, #tpu.memory_space<vmem_shared>>) target_semaphore(%run_scoped3A_91 : memref<!tpu.dma_semaphore, #tpu.memory_space<semaphore_mem>>)
      %dma_wait3A_94 = arith.constant 0 : i32
      %dma_wait3A_95 = tpu.memref_slice %arg14[%mul3A_0, %dma_wait3A_94] : memref<10240x128xf32, #tpu.memory_space<vmem_shared>> -> memref<640x128xf32, #tpu.memory_space<vmem_shared>>
      tpu.wait_dma2 semaphore(%run_scoped3A_91 : memref<!tpu.dma_semaphore, #tpu.memory_space<semaphore_mem>>) src(%arg5 : memref<640x128xf32, #tpu.memory_space<hbm>>) dst(%dma_wait3A_95 : memref<640x128xf32, #tpu.memory_space<vmem_shared>>)
      tpu.yield
    }) : () -> ()
    %mul3A_1 = arith.constant 640 : i32
    %mul3A_2 = arith.muli %arg1, %mul3A_1 : i32
    "tpu.region"() ({
      %run_scoped3A_91 = tpu.sem_alloc : memref<!tpu.dma_semaphore, #tpu.memory_space<semaphore_mem>>
      %dma_start3A_92 = tpu.memref_slice %arg15[%mul3A_2] : memref<10240xf32, #tpu.memory_space<vmem_shared>> -> memref<640xf32, #tpu.memory_space<vmem_shared>>
      tpu.enqueue_dma source(%arg6 : memref<640xf32, #tpu.memory_space<hbm>>) target(%dma_start3A_92 : memref<640xf32, #tpu.memory_space<vmem_shared>>) target_semaphore(%run_scoped3A_91 : memref<!tpu.dma_semaphore, #tpu.memory_space<semaphore_mem>>)
      %dma_wait3A_93 = tpu.memref_slice %arg15[%mul3A_2] : memref<10240xf32, #tpu.memory_space<vmem_shared>> -> memref<640xf32, #tpu.memory_space<vmem_shared>>
      tpu.wait_dma2 semaphore(%run_scoped3A_91 : memref<!tpu.dma_semaphore, #tpu.memory_space<semaphore_mem>>) src(%arg6 : memref<640xf32, #tpu.memory_space<hbm>>) dst(%dma_wait3A_93 : memref<640xf32, #tpu.memory_space<vmem_shared>>)
      tpu.yield
    }) : () -> ()
    "tpu.region"() ({
      %run_scoped3A_91 = tpu.sem_alloc : memref<!tpu.dma_semaphore, #tpu.memory_space<semaphore_mem>>
      tpu.enqueue_dma source(%arg7 : memref<128xf32, #tpu.memory_space<hbm>>) target(%arg13 : memref<128xf32, #tpu.memory_space<vmem>>) target_semaphore(%run_scoped3A_91 : memref<!tpu.dma_semaphore, #tpu.memory_space<semaphore_mem>>)
      tpu.wait_dma2 semaphore(%run_scoped3A_91 : memref<!tpu.dma_semaphore, #tpu.memory_space<semaphore_mem>>) src(%arg7 : memref<128xf32, #tpu.memory_space<hbm>>) dst(%arg13 : memref<128xf32, #tpu.memory_space<vmem>>)
      tpu.yield
    }) : () -> ()
    %barrier3A = arith.constant 0 : index
    tpu.barrier barrier_id(%barrier3A)
    %run_scoped3A = arith.constant 0 : i32
    "tpu.region"() ({
      %run_scoped3A_91 = tpu.sem_alloc : memref<!tpu.dma_semaphore, #tpu.memory_space<semaphore_mem>>
      %dma_start3A_92 = arith.constant 0 : i32
      %dma_start3A_93 = arith.constant 0 : i32
      %dma_start3A_94 = tpu.memref_slice %arg3[%arg0, %arg1, %run_scoped3A, %dma_start3A_92, %dma_start3A_93] : memref<2x16x2x40x128xi32, #tpu.memory_space<hbm>> -> memref<1x1x1x40x128xi32, #tpu.memory_space<hbm>>
      %dma_start3A_95 = tpu.memref_squeeze %dma_start3A_94 : memref<1x1x1x40x128xi32, #tpu.memory_space<hbm>> -> memref<40x128xi32, #tpu.memory_space<hbm>>
      %dma_start3A_96 = arith.constant 0 : i32
      %dma_start3A_97 = arith.constant 0 : i32
      %dma_start3A_98 = tpu.memref_slice %arg3[%arg0, %arg1, %run_scoped3A, %dma_start3A_96, %dma_start3A_97] : memref<2x16x2x40x128xi32, #tpu.memory_space<hbm>> -> memref<1x1x1x40x128xi32, #tpu.memory_space<hbm>>
      %dma_start3A_99 = tpu.memref_squeeze %dma_start3A_98 : memref<1x1x1x40x128xi32, #tpu.memory_space<hbm>> -> memref<40x128xi32, #tpu.memory_space<hbm>>
      tpu.enqueue_dma source(%dma_start3A_99 : memref<40x128xi32, #tpu.memory_space<hbm>>) target(%arg10 : memref<40x128xi32, #tpu.memory_space<vmem>>) target_semaphore(%run_scoped3A_91 : memref<!tpu.dma_semaphore, #tpu.memory_space<semaphore_mem>>)
      %dma_wait3A_100 = arith.constant 0 : i32
      %dma_wait3A_101 = arith.constant 0 : i32
      %dma_wait3A_102 = tpu.memref_slice %arg3[%arg0, %arg1, %run_scoped3A, %dma_wait3A_100, %dma_wait3A_101] : memref<2x16x2x40x128xi32, #tpu.memory_space<hbm>> -> memref<1x1x1x40x128xi32, #tpu.memory_space<hbm>>
      %dma_wait3A_103 = tpu.memref_squeeze %dma_wait3A_102 : memref<1x1x1x40x128xi32, #tpu.memory_space<hbm>> -> memref<40x128xi32, #tpu.memory_space<hbm>>
      %dma_wait3A_104 = arith.constant 0 : i32
      %dma_wait3A_105 = arith.constant 0 : i32
      %dma_wait3A_106 = tpu.memref_slice %arg3[%arg0, %arg1, %run_scoped3A, %dma_wait3A_104, %dma_wait3A_105] : memref<2x16x2x40x128xi32, #tpu.memory_space<hbm>> -> memref<1x1x1x40x128xi32, #tpu.memory_space<hbm>>
      %dma_wait3A_107 = tpu.memref_squeeze %dma_wait3A_106 : memref<1x1x1x40x128xi32, #tpu.memory_space<hbm>> -> memref<40x128xi32, #tpu.memory_space<hbm>>
      tpu.wait_dma2 semaphore(%run_scoped3A_91 : memref<!tpu.dma_semaphore, #tpu.memory_space<semaphore_mem>>) src(%dma_wait3A_107 : memref<40x128xi32, #tpu.memory_space<hbm>>) dst(%arg10 : memref<40x128xi32, #tpu.memory_space<vmem>>)
      tpu.yield
    }) : () -> ()
    %run_scoped3A_3 = arith.constant 0 : i32
    "tpu.region"() ({
      %run_scoped3A_91 = tpu.sem_alloc : memref<!tpu.dma_semaphore, #tpu.memory_space<semaphore_mem>>
      %dma_start3A_92 = arith.constant 0 : i32
      %dma_start3A_93 = arith.constant 0 : i32
      %dma_start3A_94 = tpu.memref_slice %arg4[%arg1, %run_scoped3A_3, %dma_start3A_92, %dma_start3A_93] : memref<16x2x40x128xi32, #tpu.memory_space<hbm>> -> memref<1x1x40x128xi32, #tpu.memory_space<hbm>>
      %dma_start3A_95 = tpu.memref_squeeze %dma_start3A_94 : memref<1x1x40x128xi32, #tpu.memory_space<hbm>> -> memref<40x128xi32, #tpu.memory_space<hbm>>
      %dma_start3A_96 = arith.constant 0 : i32
      %dma_start3A_97 = arith.constant 0 : i32
      %dma_start3A_98 = tpu.memref_slice %arg4[%arg1, %run_scoped3A_3, %dma_start3A_96, %dma_start3A_97] : memref<16x2x40x128xi32, #tpu.memory_space<hbm>> -> memref<1x1x40x128xi32, #tpu.memory_space<hbm>>
      %dma_start3A_99 = tpu.memref_squeeze %dma_start3A_98 : memref<1x1x40x128xi32, #tpu.memory_space<hbm>> -> memref<40x128xi32, #tpu.memory_space<hbm>>
      tpu.enqueue_dma source(%dma_start3A_99 : memref<40x128xi32, #tpu.memory_space<hbm>>) target(%arg11 : memref<40x128xi32, #tpu.memory_space<vmem>>) target_semaphore(%run_scoped3A_91 : memref<!tpu.dma_semaphore, #tpu.memory_space<semaphore_mem>>)
      %dma_wait3A_100 = arith.constant 0 : i32
      %dma_wait3A_101 = arith.constant 0 : i32
      %dma_wait3A_102 = tpu.memref_slice %arg4[%arg1, %run_scoped3A_3, %dma_wait3A_100, %dma_wait3A_101] : memref<16x2x40x128xi32, #tpu.memory_space<hbm>> -> memref<1x1x40x128xi32, #tpu.memory_space<hbm>>
      %dma_wait3A_103 = tpu.memref_squeeze %dma_wait3A_102 : memref<1x1x40x128xi32, #tpu.memory_space<hbm>> -> memref<40x128xi32, #tpu.memory_space<hbm>>
      %dma_wait3A_104 = arith.constant 0 : i32
      %dma_wait3A_105 = arith.constant 0 : i32
      %dma_wait3A_106 = tpu.memref_slice %arg4[%arg1, %run_scoped3A_3, %dma_wait3A_104, %dma_wait3A_105] : memref<16x2x40x128xi32, #tpu.memory_space<hbm>> -> memref<1x1x40x128xi32, #tpu.memory_space<hbm>>
      %dma_wait3A_107 = tpu.memref_squeeze %dma_wait3A_106 : memref<1x1x40x128xi32, #tpu.memory_space<hbm>> -> memref<40x128xi32, #tpu.memory_space<hbm>>
      tpu.wait_dma2 semaphore(%run_scoped3A_91 : memref<!tpu.dma_semaphore, #tpu.memory_space<semaphore_mem>>) src(%dma_wait3A_107 : memref<40x128xi32, #tpu.memory_space<hbm>>) dst(%arg11 : memref<40x128xi32, #tpu.memory_space<vmem>>)
      tpu.yield
    }) : () -> ()
    %dma_start3A = arith.constant 0 : i32
    %dma_start3A_4 = arith.constant 0 : i32
    %dma_start3A_5 = arith.constant 0 : i32
    %dma_start3A_6 = arith.constant 0 : i32
    %dma_start3A_7 = arith.constant 0 : i32
    %dma_start3A_8 = tpu.memref_slice %arg12[%dma_start3A_4, %dma_start3A_6, %dma_start3A_7] : memref<2x128x128xf32, #tpu.memory_space<vmem>> -> memref<1x128x128xf32, #tpu.memory_space<vmem>>
    %dma_start3A_9 = tpu.memref_squeeze %dma_start3A_8 : memref<1x128x128xf32, #tpu.memory_space<vmem>> -> memref<128x128xf32, #tpu.memory_space<vmem>>
    %dma_start3A_10 = arith.constant 0 : i32
    %dma_start3A_11 = tpu.memref_slice %arg10[%dma_start3A, %dma_start3A_10] : memref<40x128xi32, #tpu.memory_space<vmem>> -> memref<1x128xi32, #tpu.memory_space<vmem>>
    %dma_start3A_12 = tpu.memref_squeeze %dma_start3A_11 : memref<1x128xi32, #tpu.memory_space<vmem>> -> memref<128xi32, #tpu.memory_space<vmem>>
    %dma_start3A_13 = arith.constant 0 : i32
    %dma_start3A_14 = arith.constant 0 : i32
    %dma_start3A_15 = tpu.memref_slice %arg2[%dma_start3A_13, %dma_start3A_14] : memref<20000x128xf32, #tpu.memory_space<hbm>> -> memref<20000x128xf32, #tpu.memory_space<hbm>>
    %dma_start3A_16 = tpu.memref_slice %arg16[%dma_start3A_5] : memref<2x!tpu.dma_semaphore, #tpu.memory_space<semaphore_mem>> -> memref<1x!tpu.dma_semaphore, #tpu.memory_space<semaphore_mem>>
    %dma_start3A_17 = tpu.memref_squeeze %dma_start3A_16 : memref<1x!tpu.dma_semaphore, #tpu.memory_space<semaphore_mem>> -> memref<!tpu.dma_semaphore, #tpu.memory_space<semaphore_mem>>
    tpu.enqueue_indirect_dma source(%dma_start3A_15 : memref<20000x128xf32, #tpu.memory_space<hbm>>) target(%dma_start3A_9 : memref<128x128xf32, #tpu.memory_space<vmem>>) offsets(%dma_start3A_12 : memref<128xi32, #tpu.memory_space<vmem>>) semaphore(%dma_start3A_17 : memref<!tpu.dma_semaphore, #tpu.memory_space<semaphore_mem>>)
    %scan3A = arith.constant 0 : i32
    %scan3A_18 = arith.constant 0 : i32
    %scan3A_19 = arith.constant 40 : i32
    %scan3A_20 = arith.addi %scan3A_18, %scan3A_19 : i32
    %scan3A_21 = arith.constant 1 : i32
    scf.for %scan3A_91 = %scan3A_18 to %scan3A_20 step %scan3A_21  : i32 {
      %jit3A = arith.constant 2 : i32
      %eq3A_92 = arith.constant 0 : i32
      %eq3A_93 = arith.cmpi eq, %jit3A, %eq3A_92 : i32
      %jit3A_94 = arith.constant 1 : i32
      %select_n3A = arith.select %eq3A_93, %jit3A_94, %jit3A : i32
      %rem3A = arith.remsi %scan3A_91, %select_n3A : i32
      %ne3A = arith.constant 0 : i32
      %ne3A_95 = arith.cmpi ne, %rem3A, %ne3A : i32
      %lt3A = arith.constant 0 : i32
      %lt3A_96 = arith.cmpi slt, %rem3A, %lt3A : i32
      %lt3A_97 = arith.constant 0 : i32
      %lt3A_98 = arith.cmpi slt, %select_n3A, %lt3A_97 : i32
      %ne3A_99 = arith.xori %lt3A_96, %lt3A_98 : i1
      %and3A = arith.andi %ne3A_99, %ne3A_95 : i1
      %add3A = arith.addi %rem3A, %select_n3A : i32
      %select_n3A_100 = arith.select %and3A, %add3A, %rem3A : i32
      %ge3A = arith.constant 1 : i32
      %ge3A_101 = arith.cmpi sge, %scan3A_91, %ge3A : i32
      %convert_element_type3A_102 = arith.extui %ge3A_101 : i1 to i32
      %cond3A_103 = arith.constant 0 : i32
      %cond3A_104 = arith.cmpi ne, %convert_element_type3A_102, %cond3A_103 : i32
      scf.if %cond3A_104 {
        %sub3A = arith.constant 1 : i32
        %sub3A_141 = arith.subi %scan3A_91, %sub3A : i32
        %sub3A_142 = arith.constant 1 : i32
        %sub3A_143 = arith.subi %sub3A_142, %select_n3A_100 : i32
        %dma_wait3A_144 = arith.constant 0 : i32
        %dma_wait3A_145 = arith.constant 0 : i32
        %dma_wait3A_146 = tpu.memref_slice %arg12[%sub3A_143, %dma_wait3A_144, %dma_wait3A_145] : memref<2x128x128xf32, #tpu.memory_space<vmem>> -> memref<1x128x128xf32, #tpu.memory_space<vmem>>
        %dma_wait3A_147 = tpu.memref_squeeze %dma_wait3A_146 : memref<1x128x128xf32, #tpu.memory_space<vmem>> -> memref<128x128xf32, #tpu.memory_space<vmem>>
        %dma_wait3A_148 = arith.constant 0 : i32
        %dma_wait3A_149 = tpu.memref_slice %arg11[%sub3A_141, %dma_wait3A_148] : memref<40x128xi32, #tpu.memory_space<vmem>> -> memref<1x128xi32, #tpu.memory_space<vmem>>
        %dma_wait3A_150 = tpu.memref_squeeze %dma_wait3A_149 : memref<1x128xi32, #tpu.memory_space<vmem>> -> memref<128xi32, #tpu.memory_space<vmem>>
        %dma_wait3A_151 = arith.constant 0 : i32
        %dma_wait3A_152 = arith.constant 0 : i32
        %dma_wait3A_153 = tpu.memref_slice %arg14[%dma_wait3A_151, %dma_wait3A_152] : memref<10240x128xf32, #tpu.memory_space<vmem_shared>> -> memref<10240x128xf32, #tpu.memory_space<vmem_shared>>
        %dma_wait3A_154 = tpu.memref_slice %arg17[%sub3A_143] : memref<2x!tpu.dma_semaphore, #tpu.memory_space<semaphore_mem>> -> memref<1x!tpu.dma_semaphore, #tpu.memory_space<semaphore_mem>>
        %dma_wait3A_155 = tpu.memref_squeeze %dma_wait3A_154 : memref<1x!tpu.dma_semaphore, #tpu.memory_space<semaphore_mem>> -> memref<!tpu.dma_semaphore, #tpu.memory_space<semaphore_mem>>
        tpu.wait_indirect_dma semaphore(%dma_wait3A_155 : memref<!tpu.dma_semaphore, #tpu.memory_space<semaphore_mem>>) src(%dma_wait3A_147 : memref<128x128xf32, #tpu.memory_space<vmem>>) dst(%dma_wait3A_153 : memref<10240x128xf32, #tpu.memory_space<vmem_shared>>)
      } else {
      }
      %add3A_105 = arith.constant 1 : i32
      %add3A_106 = arith.addi %scan3A_91, %add3A_105 : i32
      %lt3A_107 = arith.constant 40 : i32
      %lt3A_108 = arith.cmpi slt, %add3A_106, %lt3A_107 : i32
      %convert_element_type3A_109 = arith.extui %lt3A_108 : i1 to i32
      %cond3A_110 = arith.constant 0 : i32
      %cond3A_111 = arith.cmpi ne, %convert_element_type3A_109, %cond3A_110 : i32
      scf.if %cond3A_111 {
        %add3A_141 = arith.constant 1 : i32
        %add3A_142 = arith.addi %scan3A_91, %add3A_141 : i32
        %sub3A = arith.constant 1 : i32
        %sub3A_143 = arith.subi %sub3A, %select_n3A_100 : i32
        %dma_start3A_144 = arith.constant 0 : i32
        %dma_start3A_145 = arith.constant 0 : i32
        %dma_start3A_146 = tpu.memref_slice %arg12[%sub3A_143, %dma_start3A_144, %dma_start3A_145] : memref<2x128x128xf32, #tpu.memory_space<vmem>> -> memref<1x128x128xf32, #tpu.memory_space<vmem>>
        %dma_start3A_147 = tpu.memref_squeeze %dma_start3A_146 : memref<1x128x128xf32, #tpu.memory_space<vmem>> -> memref<128x128xf32, #tpu.memory_space<vmem>>
        %dma_start3A_148 = arith.constant 0 : i32
        %dma_start3A_149 = tpu.memref_slice %arg10[%add3A_142, %dma_start3A_148] : memref<40x128xi32, #tpu.memory_space<vmem>> -> memref<1x128xi32, #tpu.memory_space<vmem>>
        %dma_start3A_150 = tpu.memref_squeeze %dma_start3A_149 : memref<1x128xi32, #tpu.memory_space<vmem>> -> memref<128xi32, #tpu.memory_space<vmem>>
        %dma_start3A_151 = arith.constant 0 : i32
        %dma_start3A_152 = arith.constant 0 : i32
        %dma_start3A_153 = tpu.memref_slice %arg2[%dma_start3A_151, %dma_start3A_152] : memref<20000x128xf32, #tpu.memory_space<hbm>> -> memref<20000x128xf32, #tpu.memory_space<hbm>>
        %dma_start3A_154 = tpu.memref_slice %arg16[%sub3A_143] : memref<2x!tpu.dma_semaphore, #tpu.memory_space<semaphore_mem>> -> memref<1x!tpu.dma_semaphore, #tpu.memory_space<semaphore_mem>>
        %dma_start3A_155 = tpu.memref_squeeze %dma_start3A_154 : memref<1x!tpu.dma_semaphore, #tpu.memory_space<semaphore_mem>> -> memref<!tpu.dma_semaphore, #tpu.memory_space<semaphore_mem>>
        tpu.enqueue_indirect_dma source(%dma_start3A_153 : memref<20000x128xf32, #tpu.memory_space<hbm>>) target(%dma_start3A_147 : memref<128x128xf32, #tpu.memory_space<vmem>>) offsets(%dma_start3A_150 : memref<128xi32, #tpu.memory_space<vmem>>) semaphore(%dma_start3A_155 : memref<!tpu.dma_semaphore, #tpu.memory_space<semaphore_mem>>)
      } else {
      }
      %dma_wait3A_112 = arith.constant 0 : i32
      %dma_wait3A_113 = arith.constant 0 : i32
      %dma_wait3A_114 = tpu.memref_slice %arg12[%select_n3A_100, %dma_wait3A_112, %dma_wait3A_113] : memref<2x128x128xf32, #tpu.memory_space<vmem>> -> memref<1x128x128xf32, #tpu.memory_space<vmem>>
      %dma_wait3A_115 = tpu.memref_squeeze %dma_wait3A_114 : memref<1x128x128xf32, #tpu.memory_space<vmem>> -> memref<128x128xf32, #tpu.memory_space<vmem>>
      %dma_wait3A_116 = arith.constant 0 : i32
      %dma_wait3A_117 = tpu.memref_slice %arg10[%scan3A_91, %dma_wait3A_116] : memref<40x128xi32, #tpu.memory_space<vmem>> -> memref<1x128xi32, #tpu.memory_space<vmem>>
      %dma_wait3A_118 = tpu.memref_squeeze %dma_wait3A_117 : memref<1x128xi32, #tpu.memory_space<vmem>> -> memref<128xi32, #tpu.memory_space<vmem>>
      %dma_wait3A_119 = arith.constant 0 : i32
      %dma_wait3A_120 = arith.constant 0 : i32
      %dma_wait3A_121 = tpu.memref_slice %arg2[%dma_wait3A_119, %dma_wait3A_120] : memref<20000x128xf32, #tpu.memory_space<hbm>> -> memref<20000x128xf32, #tpu.memory_space<hbm>>
      %dma_wait3A_122 = tpu.memref_slice %arg16[%select_n3A_100] : memref<2x!tpu.dma_semaphore, #tpu.memory_space<semaphore_mem>> -> memref<1x!tpu.dma_semaphore, #tpu.memory_space<semaphore_mem>>
      %dma_wait3A_123 = tpu.memref_squeeze %dma_wait3A_122 : memref<1x!tpu.dma_semaphore, #tpu.memory_space<semaphore_mem>> -> memref<!tpu.dma_semaphore, #tpu.memory_space<semaphore_mem>>
      tpu.wait_indirect_dma semaphore(%dma_wait3A_123 : memref<!tpu.dma_semaphore, #tpu.memory_space<semaphore_mem>>) src(%dma_wait3A_121 : memref<20000x128xf32, #tpu.memory_space<hbm>>) dst(%dma_wait3A_115 : memref<128x128xf32, #tpu.memory_space<vmem>>)
      %dma_start3A_124 = arith.constant 0 : i32
      %dma_start3A_125 = arith.constant 0 : i32
      %dma_start3A_126 = tpu.memref_slice %arg12[%select_n3A_100, %dma_start3A_124, %dma_start3A_125] : memref<2x128x128xf32, #tpu.memory_space<vmem>> -> memref<1x128x128xf32, #tpu.memory_space<vmem>>
      %dma_start3A_127 = tpu.memref_squeeze %dma_start3A_126 : memref<1x128x128xf32, #tpu.memory_space<vmem>> -> memref<128x128xf32, #tpu.memory_space<vmem>>
      %dma_start3A_128 = arith.constant 0 : i32
      %dma_start3A_129 = tpu.memref_slice %arg11[%scan3A_91, %dma_start3A_128] : memref<40x128xi32, #tpu.memory_space<vmem>> -> memref<1x128xi32, #tpu.memory_space<vmem>>
      %dma_start3A_130 = tpu.memref_squeeze %dma_start3A_129 : memref<1x128xi32, #tpu.memory_space<vmem>> -> memref<128xi32, #tpu.memory_space<vmem>>
      %dma_start3A_131 = arith.constant 0 : i32
      %dma_start3A_132 = arith.constant 0 : i32
      %dma_start3A_133 = tpu.memref_slice %arg14[%dma_start3A_131, %dma_start3A_132] : memref<10240x128xf32, #tpu.memory_space<vmem_shared>> -> memref<10240x128xf32, #tpu.memory_space<vmem_shared>>
      %dma_start3A_134 = tpu.memref_slice %arg17[%select_n3A_100] : memref<2x!tpu.dma_semaphore, #tpu.memory_space<semaphore_mem>> -> memref<1x!tpu.dma_semaphore, #tpu.memory_space<semaphore_mem>>
      %dma_start3A_135 = tpu.memref_squeeze %dma_start3A_134 : memref<1x!tpu.dma_semaphore, #tpu.memory_space<semaphore_mem>> -> memref<!tpu.dma_semaphore, #tpu.memory_space<semaphore_mem>>
      tpu.enqueue_indirect_dma source(%dma_start3A_127 : memref<128x128xf32, #tpu.memory_space<vmem>>) target(%dma_start3A_133 : memref<10240x128xf32, #tpu.memory_space<vmem_shared>>) offsets(%dma_start3A_130 : memref<128xi32, #tpu.memory_space<vmem>>) semaphore(%dma_start3A_135 : memref<!tpu.dma_semaphore, #tpu.memory_space<semaphore_mem>>) {add = true}
      %eq3A_136 = arith.constant 0 : i32
      %eq3A_137 = arith.cmpi eq, %arg0, %eq3A_136 : i32
      %convert_element_type3A_138 = arith.extui %eq3A_137 : i1 to i32
      %cond3A_139 = arith.constant 0 : i32
      %cond3A_140 = arith.cmpi ne, %convert_element_type3A_138, %cond3A_139 : i32
      scf.if %cond3A_140 {
        %dma_start3A_141 = arith.constant 0 : i32
        %dma_start3A_142 = tpu.memref_slice %arg11[%scan3A_91, %dma_start3A_141] : memref<40x128xi32, #tpu.memory_space<vmem>> -> memref<1x128xi32, #tpu.memory_space<vmem>>
        %dma_start3A_143 = tpu.memref_squeeze %dma_start3A_142 : memref<1x128xi32, #tpu.memory_space<vmem>> -> memref<128xi32, #tpu.memory_space<vmem>>
        %dma_start3A_144 = arith.constant 0 : i32
        %dma_start3A_145 = tpu.memref_slice %arg15[%dma_start3A_144] : memref<10240xf32, #tpu.memory_space<vmem_shared>> -> memref<10240xf32, #tpu.memory_space<vmem_shared>>
        tpu.enqueue_indirect_dma source(%arg13 : memref<128xf32, #tpu.memory_space<vmem>>) target(%dma_start3A_145 : memref<10240xf32, #tpu.memory_space<vmem_shared>>) offsets(%dma_start3A_143 : memref<128xi32, #tpu.memory_space<vmem>>) semaphore(%arg18 : memref<!tpu.dma_semaphore, #tpu.memory_space<semaphore_mem>>) {add = true}
      } else {
      }
    }
    %scan3A_22 = arith.constant 40 : i32
    %dma_wait3A = arith.constant 1 : i32
    %dma_wait3A_23 = arith.constant 39 : i32
    %dma_wait3A_24 = arith.constant 1 : i32
    %dma_wait3A_25 = arith.constant 0 : i32
    %dma_wait3A_26 = arith.constant 0 : i32
    %dma_wait3A_27 = tpu.memref_slice %arg12[%dma_wait3A, %dma_wait3A_25, %dma_wait3A_26] : memref<2x128x128xf32, #tpu.memory_space<vmem>> -> memref<1x128x128xf32, #tpu.memory_space<vmem>>
    %dma_wait3A_28 = tpu.memref_squeeze %dma_wait3A_27 : memref<1x128x128xf32, #tpu.memory_space<vmem>> -> memref<128x128xf32, #tpu.memory_space<vmem>>
    %dma_wait3A_29 = arith.constant 0 : i32
    %dma_wait3A_30 = tpu.memref_slice %arg11[%dma_wait3A_23, %dma_wait3A_29] : memref<40x128xi32, #tpu.memory_space<vmem>> -> memref<1x128xi32, #tpu.memory_space<vmem>>
    %dma_wait3A_31 = tpu.memref_squeeze %dma_wait3A_30 : memref<1x128xi32, #tpu.memory_space<vmem>> -> memref<128xi32, #tpu.memory_space<vmem>>
    %dma_wait3A_32 = arith.constant 0 : i32
    %dma_wait3A_33 = arith.constant 0 : i32
    %dma_wait3A_34 = tpu.memref_slice %arg14[%dma_wait3A_32, %dma_wait3A_33] : memref<10240x128xf32, #tpu.memory_space<vmem_shared>> -> memref<10240x128xf32, #tpu.memory_space<vmem_shared>>
    %dma_wait3A_35 = tpu.memref_slice %arg17[%dma_wait3A_24] : memref<2x!tpu.dma_semaphore, #tpu.memory_space<semaphore_mem>> -> memref<1x!tpu.dma_semaphore, #tpu.memory_space<semaphore_mem>>
    %dma_wait3A_36 = tpu.memref_squeeze %dma_wait3A_35 : memref<1x!tpu.dma_semaphore, #tpu.memory_space<semaphore_mem>> -> memref<!tpu.dma_semaphore, #tpu.memory_space<semaphore_mem>>
    tpu.wait_indirect_dma semaphore(%dma_wait3A_36 : memref<!tpu.dma_semaphore, #tpu.memory_space<semaphore_mem>>) src(%dma_wait3A_28 : memref<128x128xf32, #tpu.memory_space<vmem>>) dst(%dma_wait3A_34 : memref<10240x128xf32, #tpu.memory_space<vmem_shared>>)
    %eq3A = arith.constant 0 : i32
    %eq3A_37 = arith.cmpi eq, %arg0, %eq3A : i32
    %convert_element_type3A = arith.extui %eq3A_37 : i1 to i32
    %cond3A = arith.constant 0 : i32
    %cond3A_38 = arith.cmpi ne, %convert_element_type3A, %cond3A : i32
    scf.if %cond3A_38 {
      %scan3A_91 = arith.constant 0 : i32
      %scan3A_92 = arith.constant 0 : i32
      %scan3A_93 = arith.constant 40 : i32
      %scan3A_94 = arith.addi %scan3A_92, %scan3A_93 : i32
      %scan3A_95 = arith.constant 1 : i32
      scf.for %scan3A_97 = %scan3A_92 to %scan3A_94 step %scan3A_95  : i32 {
        %dma_wait3A_98 = arith.constant 0 : i32
        %dma_wait3A_99 = tpu.memref_slice %arg11[%scan3A_97, %dma_wait3A_98] : memref<40x128xi32, #tpu.memory_space<vmem>> -> memref<1x128xi32, #tpu.memory_space<vmem>>
        %dma_wait3A_100 = tpu.memref_squeeze %dma_wait3A_99 : memref<1x128xi32, #tpu.memory_space<vmem>> -> memref<128xi32, #tpu.memory_space<vmem>>
        %dma_wait3A_101 = arith.constant 0 : i32
        %dma_wait3A_102 = tpu.memref_slice %arg15[%dma_wait3A_101] : memref<10240xf32, #tpu.memory_space<vmem_shared>> -> memref<10240xf32, #tpu.memory_space<vmem_shared>>
        tpu.wait_indirect_dma semaphore(%arg18 : memref<!tpu.dma_semaphore, #tpu.memory_space<semaphore_mem>>) src(%arg13 : memref<128xf32, #tpu.memory_space<vmem>>) dst(%dma_wait3A_102 : memref<10240xf32, #tpu.memory_space<vmem_shared>>)
      }
      %scan3A_96 = arith.constant 40 : i32
    } else {
    }
    %run_scoped3A_39 = arith.constant 1 : i32
    "tpu.region"() ({
      %run_scoped3A_91 = tpu.sem_alloc : memref<!tpu.dma_semaphore, #tpu.memory_space<semaphore_mem>>
      %dma_start3A_92 = arith.constant 0 : i32
      %dma_start3A_93 = arith.constant 0 : i32
      %dma_start3A_94 = tpu.memref_slice %arg3[%arg0, %arg1, %run_scoped3A_39, %dma_start3A_92, %dma_start3A_93] : memref<2x16x2x40x128xi32, #tpu.memory_space<hbm>> -> memref<1x1x1x40x128xi32, #tpu.memory_space<hbm>>
      %dma_start3A_95 = tpu.memref_squeeze %dma_start3A_94 : memref<1x1x1x40x128xi32, #tpu.memory_space<hbm>> -> memref<40x128xi32, #tpu.memory_space<hbm>>
      %dma_start3A_96 = arith.constant 0 : i32
      %dma_start3A_97 = arith.constant 0 : i32
      %dma_start3A_98 = tpu.memref_slice %arg3[%arg0, %arg1, %run_scoped3A_39, %dma_start3A_96, %dma_start3A_97] : memref<2x16x2x40x128xi32, #tpu.memory_space<hbm>> -> memref<1x1x1x40x128xi32, #tpu.memory_space<hbm>>
      %dma_start3A_99 = tpu.memref_squeeze %dma_start3A_98 : memref<1x1x1x40x128xi32, #tpu.memory_space<hbm>> -> memref<40x128xi32, #tpu.memory_space<hbm>>
      tpu.enqueue_dma source(%dma_start3A_99 : memref<40x128xi32, #tpu.memory_space<hbm>>) target(%arg10 : memref<40x128xi32, #tpu.memory_space<vmem>>) target_semaphore(%run_scoped3A_91 : memref<!tpu.dma_semaphore, #tpu.memory_space<semaphore_mem>>)
      %dma_wait3A_100 = arith.constant 0 : i32
      %dma_wait3A_101 = arith.constant 0 : i32
      %dma_wait3A_102 = tpu.memref_slice %arg3[%arg0, %arg1, %run_scoped3A_39, %dma_wait3A_100, %dma_wait3A_101] : memref<2x16x2x40x128xi32, #tpu.memory_space<hbm>> -> memref<1x1x1x40x128xi32, #tpu.memory_space<hbm>>
      %dma_wait3A_103 = tpu.memref_squeeze %dma_wait3A_102 : memref<1x1x1x40x128xi32, #tpu.memory_space<hbm>> -> memref<40x128xi32, #tpu.memory_space<hbm>>
      %dma_wait3A_104 = arith.constant 0 : i32
      %dma_wait3A_105 = arith.constant 0 : i32
      %dma_wait3A_106 = tpu.memref_slice %arg3[%arg0, %arg1, %run_scoped3A_39, %dma_wait3A_104, %dma_wait3A_105] : memref<2x16x2x40x128xi32, #tpu.memory_space<hbm>> -> memref<1x1x1x40x128xi32, #tpu.memory_space<hbm>>
      %dma_wait3A_107 = tpu.memref_squeeze %dma_wait3A_106 : memref<1x1x1x40x128xi32, #tpu.memory_space<hbm>> -> memref<40x128xi32, #tpu.memory_space<hbm>>
      tpu.wait_dma2 semaphore(%run_scoped3A_91 : memref<!tpu.dma_semaphore, #tpu.memory_space<semaphore_mem>>) src(%dma_wait3A_107 : memref<40x128xi32, #tpu.memory_space<hbm>>) dst(%arg10 : memref<40x128xi32, #tpu.memory_space<vmem>>)
      tpu.yield
    }) : () -> ()
    %run_scoped3A_40 = arith.constant 1 : i32
    "tpu.region"() ({
      %run_scoped3A_91 = tpu.sem_alloc : memref<!tpu.dma_semaphore, #tpu.memory_space<semaphore_mem>>
      %dma_start3A_92 = arith.constant 0 : i32
      %dma_start3A_93 = arith.constant 0 : i32
      %dma_start3A_94 = tpu.memref_slice %arg4[%arg1, %run_scoped3A_40, %dma_start3A_92, %dma_start3A_93] : memref<16x2x40x128xi32, #tpu.memory_space<hbm>> -> memref<1x1x40x128xi32, #tpu.memory_space<hbm>>
      %dma_start3A_95 = tpu.memref_squeeze %dma_start3A_94 : memref<1x1x40x128xi32, #tpu.memory_space<hbm>> -> memref<40x128xi32, #tpu.memory_space<hbm>>
      %dma_start3A_96 = arith.constant 0 : i32
      %dma_start3A_97 = arith.constant 0 : i32
      %dma_start3A_98 = tpu.memref_slice %arg4[%arg1, %run_scoped3A_40, %dma_start3A_96, %dma_start3A_97] : memref<16x2x40x128xi32, #tpu.memory_space<hbm>> -> memref<1x1x40x128xi32, #tpu.memory_space<hbm>>
      %dma_start3A_99 = tpu.memref_squeeze %dma_start3A_98 : memref<1x1x40x128xi32, #tpu.memory_space<hbm>> -> memref<40x128xi32, #tpu.memory_space<hbm>>
      tpu.enqueue_dma source(%dma_start3A_99 : memref<40x128xi32, #tpu.memory_space<hbm>>) target(%arg11 : memref<40x128xi32, #tpu.memory_space<vmem>>) target_semaphore(%run_scoped3A_91 : memref<!tpu.dma_semaphore, #tpu.memory_space<semaphore_mem>>)
      %dma_wait3A_100 = arith.constant 0 : i32
      %dma_wait3A_101 = arith.constant 0 : i32
      %dma_wait3A_102 = tpu.memref_slice %arg4[%arg1, %run_scoped3A_40, %dma_wait3A_100, %dma_wait3A_101] : memref<16x2x40x128xi32, #tpu.memory_space<hbm>> -> memref<1x1x40x128xi32, #tpu.memory_space<hbm>>
      %dma_wait3A_103 = tpu.memref_squeeze %dma_wait3A_102 : memref<1x1x40x128xi32, #tpu.memory_space<hbm>> -> memref<40x128xi32, #tpu.memory_space<hbm>>
      %dma_wait3A_104 = arith.constant 0 : i32
      %dma_wait3A_105 = arith.constant 0 : i32
      %dma_wait3A_106 = tpu.memref_slice %arg4[%arg1, %run_scoped3A_40, %dma_wait3A_104, %dma_wait3A_105] : memref<16x2x40x128xi32, #tpu.memory_space<hbm>> -> memref<1x1x40x128xi32, #tpu.memory_space<hbm>>
      %dma_wait3A_107 = tpu.memref_squeeze %dma_wait3A_106 : memref<1x1x40x128xi32, #tpu.memory_space<hbm>> -> memref<40x128xi32, #tpu.memory_space<hbm>>
      tpu.wait_dma2 semaphore(%run_scoped3A_91 : memref<!tpu.dma_semaphore, #tpu.memory_space<semaphore_mem>>) src(%dma_wait3A_107 : memref<40x128xi32, #tpu.memory_space<hbm>>) dst(%arg11 : memref<40x128xi32, #tpu.memory_space<vmem>>)
      tpu.yield
    }) : () -> ()
    %dma_start3A_41 = arith.constant 0 : i32
    %dma_start3A_42 = arith.constant 0 : i32
    %dma_start3A_43 = arith.constant 0 : i32
    %dma_start3A_44 = arith.constant 0 : i32
    %dma_start3A_45 = arith.constant 0 : i32
    %dma_start3A_46 = tpu.memref_slice %arg12[%dma_start3A_42, %dma_start3A_44, %dma_start3A_45] : memref<2x128x128xf32, #tpu.memory_space<vmem>> -> memref<1x128x128xf32, #tpu.memory_space<vmem>>
    %dma_start3A_47 = tpu.memref_squeeze %dma_start3A_46 : memref<1x128x128xf32, #tpu.memory_space<vmem>> -> memref<128x128xf32, #tpu.memory_space<vmem>>
    %dma_start3A_48 = arith.constant 0 : i32
    %dma_start3A_49 = tpu.memref_slice %arg10[%dma_start3A_41, %dma_start3A_48] : memref<40x128xi32, #tpu.memory_space<vmem>> -> memref<1x128xi32, #tpu.memory_space<vmem>>
    %dma_start3A_50 = tpu.memref_squeeze %dma_start3A_49 : memref<1x128xi32, #tpu.memory_space<vmem>> -> memref<128xi32, #tpu.memory_space<vmem>>
    %dma_start3A_51 = arith.constant 0 : i32
    %dma_start3A_52 = arith.constant 0 : i32
    %dma_start3A_53 = tpu.memref_slice %arg2[%dma_start3A_51, %dma_start3A_52] : memref<20000x128xf32, #tpu.memory_space<hbm>> -> memref<20000x128xf32, #tpu.memory_space<hbm>>
    %dma_start3A_54 = tpu.memref_slice %arg16[%dma_start3A_43] : memref<2x!tpu.dma_semaphore, #tpu.memory_space<semaphore_mem>> -> memref<1x!tpu.dma_semaphore, #tpu.memory_space<semaphore_mem>>
    %dma_start3A_55 = tpu.memref_squeeze %dma_start3A_54 : memref<1x!tpu.dma_semaphore, #tpu.memory_space<semaphore_mem>> -> memref<!tpu.dma_semaphore, #tpu.memory_space<semaphore_mem>>
    tpu.enqueue_indirect_dma source(%dma_start3A_53 : memref<20000x128xf32, #tpu.memory_space<hbm>>) target(%dma_start3A_47 : memref<128x128xf32, #tpu.memory_space<vmem>>) offsets(%dma_start3A_50 : memref<128xi32, #tpu.memory_space<vmem>>) semaphore(%dma_start3A_55 : memref<!tpu.dma_semaphore, #tpu.memory_space<semaphore_mem>>)
    %scan3A_56 = arith.constant 0 : i32
    %scan3A_57 = arith.constant 0 : i32
    %scan3A_58 = arith.constant 40 : i32
    %scan3A_59 = arith.addi %scan3A_57, %scan3A_58 : i32
    %scan3A_60 = arith.constant 1 : i32
    scf.for %scan3A_91 = %scan3A_57 to %scan3A_59 step %scan3A_60  : i32 {
      %jit3A = arith.constant 2 : i32
      %eq3A_92 = arith.constant 0 : i32
      %eq3A_93 = arith.cmpi eq, %jit3A, %eq3A_92 : i32
      %jit3A_94 = arith.constant 1 : i32
      %select_n3A = arith.select %eq3A_93, %jit3A_94, %jit3A : i32
      %rem3A = arith.remsi %scan3A_91, %select_n3A : i32
      %ne3A = arith.constant 0 : i32
      %ne3A_95 = arith.cmpi ne, %rem3A, %ne3A : i32
      %lt3A = arith.constant 0 : i32
      %lt3A_96 = arith.cmpi slt, %rem3A, %lt3A : i32
      %lt3A_97 = arith.constant 0 : i32
      %lt3A_98 = arith.cmpi slt, %select_n3A, %lt3A_97 : i32
      %ne3A_99 = arith.xori %lt3A_96, %lt3A_98 : i1
      %and3A = arith.andi %ne3A_99, %ne3A_95 : i1
      %add3A = arith.addi %rem3A, %select_n3A : i32
      %select_n3A_100 = arith.select %and3A, %add3A, %rem3A : i32
      %ge3A = arith.constant 1 : i32
      %ge3A_101 = arith.cmpi sge, %scan3A_91, %ge3A : i32
      %convert_element_type3A_102 = arith.extui %ge3A_101 : i1 to i32
      %cond3A_103 = arith.constant 0 : i32
      %cond3A_104 = arith.cmpi ne, %convert_element_type3A_102, %cond3A_103 : i32
      scf.if %cond3A_104 {
        %sub3A = arith.constant 1 : i32
        %sub3A_141 = arith.subi %scan3A_91, %sub3A : i32
        %sub3A_142 = arith.constant 1 : i32
        %sub3A_143 = arith.subi %sub3A_142, %select_n3A_100 : i32
        %dma_wait3A_144 = arith.constant 0 : i32
        %dma_wait3A_145 = arith.constant 0 : i32
        %dma_wait3A_146 = tpu.memref_slice %arg12[%sub3A_143, %dma_wait3A_144, %dma_wait3A_145] : memref<2x128x128xf32, #tpu.memory_space<vmem>> -> memref<1x128x128xf32, #tpu.memory_space<vmem>>
        %dma_wait3A_147 = tpu.memref_squeeze %dma_wait3A_146 : memref<1x128x128xf32, #tpu.memory_space<vmem>> -> memref<128x128xf32, #tpu.memory_space<vmem>>
        %dma_wait3A_148 = arith.constant 0 : i32
        %dma_wait3A_149 = tpu.memref_slice %arg11[%sub3A_141, %dma_wait3A_148] : memref<40x128xi32, #tpu.memory_space<vmem>> -> memref<1x128xi32, #tpu.memory_space<vmem>>
        %dma_wait3A_150 = tpu.memref_squeeze %dma_wait3A_149 : memref<1x128xi32, #tpu.memory_space<vmem>> -> memref<128xi32, #tpu.memory_space<vmem>>
        %dma_wait3A_151 = arith.constant 0 : i32
        %dma_wait3A_152 = arith.constant 0 : i32
        %dma_wait3A_153 = tpu.memref_slice %arg14[%dma_wait3A_151, %dma_wait3A_152] : memref<10240x128xf32, #tpu.memory_space<vmem_shared>> -> memref<10240x128xf32, #tpu.memory_space<vmem_shared>>
        %dma_wait3A_154 = tpu.memref_slice %arg17[%sub3A_143] : memref<2x!tpu.dma_semaphore, #tpu.memory_space<semaphore_mem>> -> memref<1x!tpu.dma_semaphore, #tpu.memory_space<semaphore_mem>>
        %dma_wait3A_155 = tpu.memref_squeeze %dma_wait3A_154 : memref<1x!tpu.dma_semaphore, #tpu.memory_space<semaphore_mem>> -> memref<!tpu.dma_semaphore, #tpu.memory_space<semaphore_mem>>
        tpu.wait_indirect_dma semaphore(%dma_wait3A_155 : memref<!tpu.dma_semaphore, #tpu.memory_space<semaphore_mem>>) src(%dma_wait3A_147 : memref<128x128xf32, #tpu.memory_space<vmem>>) dst(%dma_wait3A_153 : memref<10240x128xf32, #tpu.memory_space<vmem_shared>>)
      } else {
      }
      %add3A_105 = arith.constant 1 : i32
      %add3A_106 = arith.addi %scan3A_91, %add3A_105 : i32
      %lt3A_107 = arith.constant 40 : i32
      %lt3A_108 = arith.cmpi slt, %add3A_106, %lt3A_107 : i32
      %convert_element_type3A_109 = arith.extui %lt3A_108 : i1 to i32
      %cond3A_110 = arith.constant 0 : i32
      %cond3A_111 = arith.cmpi ne, %convert_element_type3A_109, %cond3A_110 : i32
      scf.if %cond3A_111 {
        %add3A_141 = arith.constant 1 : i32
        %add3A_142 = arith.addi %scan3A_91, %add3A_141 : i32
        %sub3A = arith.constant 1 : i32
        %sub3A_143 = arith.subi %sub3A, %select_n3A_100 : i32
        %dma_start3A_144 = arith.constant 0 : i32
        %dma_start3A_145 = arith.constant 0 : i32
        %dma_start3A_146 = tpu.memref_slice %arg12[%sub3A_143, %dma_start3A_144, %dma_start3A_145] : memref<2x128x128xf32, #tpu.memory_space<vmem>> -> memref<1x128x128xf32, #tpu.memory_space<vmem>>
        %dma_start3A_147 = tpu.memref_squeeze %dma_start3A_146 : memref<1x128x128xf32, #tpu.memory_space<vmem>> -> memref<128x128xf32, #tpu.memory_space<vmem>>
        %dma_start3A_148 = arith.constant 0 : i32
        %dma_start3A_149 = tpu.memref_slice %arg10[%add3A_142, %dma_start3A_148] : memref<40x128xi32, #tpu.memory_space<vmem>> -> memref<1x128xi32, #tpu.memory_space<vmem>>
        %dma_start3A_150 = tpu.memref_squeeze %dma_start3A_149 : memref<1x128xi32, #tpu.memory_space<vmem>> -> memref<128xi32, #tpu.memory_space<vmem>>
        %dma_start3A_151 = arith.constant 0 : i32
        %dma_start3A_152 = arith.constant 0 : i32
        %dma_start3A_153 = tpu.memref_slice %arg2[%dma_start3A_151, %dma_start3A_152] : memref<20000x128xf32, #tpu.memory_space<hbm>> -> memref<20000x128xf32, #tpu.memory_space<hbm>>
        %dma_start3A_154 = tpu.memref_slice %arg16[%sub3A_143] : memref<2x!tpu.dma_semaphore, #tpu.memory_space<semaphore_mem>> -> memref<1x!tpu.dma_semaphore, #tpu.memory_space<semaphore_mem>>
        %dma_start3A_155 = tpu.memref_squeeze %dma_start3A_154 : memref<1x!tpu.dma_semaphore, #tpu.memory_space<semaphore_mem>> -> memref<!tpu.dma_semaphore, #tpu.memory_space<semaphore_mem>>
        tpu.enqueue_indirect_dma source(%dma_start3A_153 : memref<20000x128xf32, #tpu.memory_space<hbm>>) target(%dma_start3A_147 : memref<128x128xf32, #tpu.memory_space<vmem>>) offsets(%dma_start3A_150 : memref<128xi32, #tpu.memory_space<vmem>>) semaphore(%dma_start3A_155 : memref<!tpu.dma_semaphore, #tpu.memory_space<semaphore_mem>>)
      } else {
      }
      %dma_wait3A_112 = arith.constant 0 : i32
      %dma_wait3A_113 = arith.constant 0 : i32
      %dma_wait3A_114 = tpu.memref_slice %arg12[%select_n3A_100, %dma_wait3A_112, %dma_wait3A_113] : memref<2x128x128xf32, #tpu.memory_space<vmem>> -> memref<1x128x128xf32, #tpu.memory_space<vmem>>
      %dma_wait3A_115 = tpu.memref_squeeze %dma_wait3A_114 : memref<1x128x128xf32, #tpu.memory_space<vmem>> -> memref<128x128xf32, #tpu.memory_space<vmem>>
      %dma_wait3A_116 = arith.constant 0 : i32
      %dma_wait3A_117 = tpu.memref_slice %arg10[%scan3A_91, %dma_wait3A_116] : memref<40x128xi32, #tpu.memory_space<vmem>> -> memref<1x128xi32, #tpu.memory_space<vmem>>
      %dma_wait3A_118 = tpu.memref_squeeze %dma_wait3A_117 : memref<1x128xi32, #tpu.memory_space<vmem>> -> memref<128xi32, #tpu.memory_space<vmem>>
      %dma_wait3A_119 = arith.constant 0 : i32
      %dma_wait3A_120 = arith.constant 0 : i32
      %dma_wait3A_121 = tpu.memref_slice %arg2[%dma_wait3A_119, %dma_wait3A_120] : memref<20000x128xf32, #tpu.memory_space<hbm>> -> memref<20000x128xf32, #tpu.memory_space<hbm>>
      %dma_wait3A_122 = tpu.memref_slice %arg16[%select_n3A_100] : memref<2x!tpu.dma_semaphore, #tpu.memory_space<semaphore_mem>> -> memref<1x!tpu.dma_semaphore, #tpu.memory_space<semaphore_mem>>
      %dma_wait3A_123 = tpu.memref_squeeze %dma_wait3A_122 : memref<1x!tpu.dma_semaphore, #tpu.memory_space<semaphore_mem>> -> memref<!tpu.dma_semaphore, #tpu.memory_space<semaphore_mem>>
      tpu.wait_indirect_dma semaphore(%dma_wait3A_123 : memref<!tpu.dma_semaphore, #tpu.memory_space<semaphore_mem>>) src(%dma_wait3A_121 : memref<20000x128xf32, #tpu.memory_space<hbm>>) dst(%dma_wait3A_115 : memref<128x128xf32, #tpu.memory_space<vmem>>)
      %dma_start3A_124 = arith.constant 0 : i32
      %dma_start3A_125 = arith.constant 0 : i32
      %dma_start3A_126 = tpu.memref_slice %arg12[%select_n3A_100, %dma_start3A_124, %dma_start3A_125] : memref<2x128x128xf32, #tpu.memory_space<vmem>> -> memref<1x128x128xf32, #tpu.memory_space<vmem>>
      %dma_start3A_127 = tpu.memref_squeeze %dma_start3A_126 : memref<1x128x128xf32, #tpu.memory_space<vmem>> -> memref<128x128xf32, #tpu.memory_space<vmem>>
      %dma_start3A_128 = arith.constant 0 : i32
      %dma_start3A_129 = tpu.memref_slice %arg11[%scan3A_91, %dma_start3A_128] : memref<40x128xi32, #tpu.memory_space<vmem>> -> memref<1x128xi32, #tpu.memory_space<vmem>>
      %dma_start3A_130 = tpu.memref_squeeze %dma_start3A_129 : memref<1x128xi32, #tpu.memory_space<vmem>> -> memref<128xi32, #tpu.memory_space<vmem>>
      %dma_start3A_131 = arith.constant 0 : i32
      %dma_start3A_132 = arith.constant 0 : i32
      %dma_start3A_133 = tpu.memref_slice %arg14[%dma_start3A_131, %dma_start3A_132] : memref<10240x128xf32, #tpu.memory_space<vmem_shared>> -> memref<10240x128xf32, #tpu.memory_space<vmem_shared>>
      %dma_start3A_134 = tpu.memref_slice %arg17[%select_n3A_100] : memref<2x!tpu.dma_semaphore, #tpu.memory_space<semaphore_mem>> -> memref<1x!tpu.dma_semaphore, #tpu.memory_space<semaphore_mem>>
      %dma_start3A_135 = tpu.memref_squeeze %dma_start3A_134 : memref<1x!tpu.dma_semaphore, #tpu.memory_space<semaphore_mem>> -> memref<!tpu.dma_semaphore, #tpu.memory_space<semaphore_mem>>
      tpu.enqueue_indirect_dma source(%dma_start3A_127 : memref<128x128xf32, #tpu.memory_space<vmem>>) target(%dma_start3A_133 : memref<10240x128xf32, #tpu.memory_space<vmem_shared>>) offsets(%dma_start3A_130 : memref<128xi32, #tpu.memory_space<vmem>>) semaphore(%dma_start3A_135 : memref<!tpu.dma_semaphore, #tpu.memory_space<semaphore_mem>>) {add = true}
      %eq3A_136 = arith.constant 1 : i32
      %eq3A_137 = arith.cmpi eq, %arg0, %eq3A_136 : i32
      %convert_element_type3A_138 = arith.extui %eq3A_137 : i1 to i32
      %cond3A_139 = arith.constant 0 : i32
      %cond3A_140 = arith.cmpi ne, %convert_element_type3A_138, %cond3A_139 : i32
      scf.if %cond3A_140 {
        %dma_start3A_141 = arith.constant 0 : i32
        %dma_start3A_142 = tpu.memref_slice %arg11[%scan3A_91, %dma_start3A_141] : memref<40x128xi32, #tpu.memory_space<vmem>> -> memref<1x128xi32, #tpu.memory_space<vmem>>
        %dma_start3A_143 = tpu.memref_squeeze %dma_start3A_142 : memref<1x128xi32, #tpu.memory_space<vmem>> -> memref<128xi32, #tpu.memory_space<vmem>>
        %dma_start3A_144 = arith.constant 0 : i32
        %dma_start3A_145 = tpu.memref_slice %arg15[%dma_start3A_144] : memref<10240xf32, #tpu.memory_space<vmem_shared>> -> memref<10240xf32, #tpu.memory_space<vmem_shared>>
        tpu.enqueue_indirect_dma source(%arg13 : memref<128xf32, #tpu.memory_space<vmem>>) target(%dma_start3A_145 : memref<10240xf32, #tpu.memory_space<vmem_shared>>) offsets(%dma_start3A_143 : memref<128xi32, #tpu.memory_space<vmem>>) semaphore(%arg18 : memref<!tpu.dma_semaphore, #tpu.memory_space<semaphore_mem>>) {add = true}
      } else {
      }
    }
    %scan3A_61 = arith.constant 40 : i32
    %dma_wait3A_62 = arith.constant 1 : i32
    %dma_wait3A_63 = arith.constant 39 : i32
    %dma_wait3A_64 = arith.constant 1 : i32
    %dma_wait3A_65 = arith.constant 0 : i32
    %dma_wait3A_66 = arith.constant 0 : i32
    %dma_wait3A_67 = tpu.memref_slice %arg12[%dma_wait3A_62, %dma_wait3A_65, %dma_wait3A_66] : memref<2x128x128xf32, #tpu.memory_space<vmem>> -> memref<1x128x128xf32, #tpu.memory_space<vmem>>
    %dma_wait3A_68 = tpu.memref_squeeze %dma_wait3A_67 : memref<1x128x128xf32, #tpu.memory_space<vmem>> -> memref<128x128xf32, #tpu.memory_space<vmem>>
    %dma_wait3A_69 = arith.constant 0 : i32
    %dma_wait3A_70 = tpu.memref_slice %arg11[%dma_wait3A_63, %dma_wait3A_69] : memref<40x128xi32, #tpu.memory_space<vmem>> -> memref<1x128xi32, #tpu.memory_space<vmem>>
    %dma_wait3A_71 = tpu.memref_squeeze %dma_wait3A_70 : memref<1x128xi32, #tpu.memory_space<vmem>> -> memref<128xi32, #tpu.memory_space<vmem>>
    %dma_wait3A_72 = arith.constant 0 : i32
    %dma_wait3A_73 = arith.constant 0 : i32
    %dma_wait3A_74 = tpu.memref_slice %arg14[%dma_wait3A_72, %dma_wait3A_73] : memref<10240x128xf32, #tpu.memory_space<vmem_shared>> -> memref<10240x128xf32, #tpu.memory_space<vmem_shared>>
    %dma_wait3A_75 = tpu.memref_slice %arg17[%dma_wait3A_64] : memref<2x!tpu.dma_semaphore, #tpu.memory_space<semaphore_mem>> -> memref<1x!tpu.dma_semaphore, #tpu.memory_space<semaphore_mem>>
    %dma_wait3A_76 = tpu.memref_squeeze %dma_wait3A_75 : memref<1x!tpu.dma_semaphore, #tpu.memory_space<semaphore_mem>> -> memref<!tpu.dma_semaphore, #tpu.memory_space<semaphore_mem>>
    tpu.wait_indirect_dma semaphore(%dma_wait3A_76 : memref<!tpu.dma_semaphore, #tpu.memory_space<semaphore_mem>>) src(%dma_wait3A_68 : memref<128x128xf32, #tpu.memory_space<vmem>>) dst(%dma_wait3A_74 : memref<10240x128xf32, #tpu.memory_space<vmem_shared>>)
    %eq3A_77 = arith.constant 1 : i32
    %eq3A_78 = arith.cmpi eq, %arg0, %eq3A_77 : i32
    %convert_element_type3A_79 = arith.extui %eq3A_78 : i1 to i32
    %cond3A_80 = arith.constant 0 : i32
    %cond3A_81 = arith.cmpi ne, %convert_element_type3A_79, %cond3A_80 : i32
    scf.if %cond3A_81 {
      %scan3A_91 = arith.constant 0 : i32
      %scan3A_92 = arith.constant 0 : i32
      %scan3A_93 = arith.constant 40 : i32
      %scan3A_94 = arith.addi %scan3A_92, %scan3A_93 : i32
      %scan3A_95 = arith.constant 1 : i32
      scf.for %scan3A_97 = %scan3A_92 to %scan3A_94 step %scan3A_95  : i32 {
        %dma_wait3A_98 = arith.constant 0 : i32
        %dma_wait3A_99 = tpu.memref_slice %arg11[%scan3A_97, %dma_wait3A_98] : memref<40x128xi32, #tpu.memory_space<vmem>> -> memref<1x128xi32, #tpu.memory_space<vmem>>
        %dma_wait3A_100 = tpu.memref_squeeze %dma_wait3A_99 : memref<1x128xi32, #tpu.memory_space<vmem>> -> memref<128xi32, #tpu.memory_space<vmem>>
        %dma_wait3A_101 = arith.constant 0 : i32
        %dma_wait3A_102 = tpu.memref_slice %arg15[%dma_wait3A_101] : memref<10240xf32, #tpu.memory_space<vmem_shared>> -> memref<10240xf32, #tpu.memory_space<vmem_shared>>
        tpu.wait_indirect_dma semaphore(%arg18 : memref<!tpu.dma_semaphore, #tpu.memory_space<semaphore_mem>>) src(%arg13 : memref<128xf32, #tpu.memory_space<vmem>>) dst(%dma_wait3A_102 : memref<10240xf32, #tpu.memory_space<vmem_shared>>)
      }
      %scan3A_96 = arith.constant 40 : i32
    } else {
    }
    %barrier3A_82 = arith.constant 0 : index
    tpu.barrier barrier_id(%barrier3A_82)
    %mul3A_83 = arith.constant 640 : i32
    %mul3A_84 = arith.muli %arg1, %mul3A_83 : i32
    %mul3A_85 = arith.constant 640 : i32
    %mul3A_86 = arith.muli %arg1, %mul3A_85 : i32
    "tpu.region"() ({
      %run_scoped3A_91 = tpu.sem_alloc : memref<!tpu.dma_semaphore, #tpu.memory_space<semaphore_mem>>
      %dma_start3A_92 = arith.constant 0 : i32
      %dma_start3A_93 = tpu.memref_slice %arg8[%arg0, %mul3A_86, %dma_start3A_92] : memref<2x10240x128xf32, #tpu.memory_space<hbm>> -> memref<1x640x128xf32, #tpu.memory_space<hbm>>
      %dma_start3A_94 = tpu.memref_squeeze %dma_start3A_93 : memref<1x640x128xf32, #tpu.memory_space<hbm>> -> memref<640x128xf32, #tpu.memory_space<hbm>>
      %dma_start3A_95 = arith.constant 0 : i32
      %dma_start3A_96 = tpu.memref_slice %arg14[%mul3A_84, %dma_start3A_95] : memref<10240x128xf32, #tpu.memory_space<vmem_shared>> -> memref<640x128xf32, #tpu.memory_space<vmem_shared>>
      tpu.enqueue_dma source(%dma_start3A_96 : memref<640x128xf32, #tpu.memory_space<vmem_shared>>) target(%dma_start3A_94 : memref<640x128xf32, #tpu.memory_space<hbm>>) target_semaphore(%run_scoped3A_91 : memref<!tpu.dma_semaphore, #tpu.memory_space<semaphore_mem>>)
      %dma_wait3A_97 = arith.constant 0 : i32
      %dma_wait3A_98 = tpu.memref_slice %arg8[%arg0, %mul3A_86, %dma_wait3A_97] : memref<2x10240x128xf32, #tpu.memory_space<hbm>> -> memref<1x640x128xf32, #tpu.memory_space<hbm>>
      %dma_wait3A_99 = tpu.memref_squeeze %dma_wait3A_98 : memref<1x640x128xf32, #tpu.memory_space<hbm>> -> memref<640x128xf32, #tpu.memory_space<hbm>>
      %dma_wait3A_100 = arith.constant 0 : i32
      %dma_wait3A_101 = tpu.memref_slice %arg14[%mul3A_84, %dma_wait3A_100] : memref<10240x128xf32, #tpu.memory_space<vmem_shared>> -> memref<640x128xf32, #tpu.memory_space<vmem_shared>>
      tpu.wait_dma2 semaphore(%run_scoped3A_91 : memref<!tpu.dma_semaphore, #tpu.memory_space<semaphore_mem>>) src(%dma_wait3A_101 : memref<640x128xf32, #tpu.memory_space<vmem_shared>>) dst(%dma_wait3A_99 : memref<640x128xf32, #tpu.memory_space<hbm>>)
      tpu.yield
    }) : () -> ()
    %mul3A_87 = arith.constant 640 : i32
    %mul3A_88 = arith.muli %arg1, %mul3A_87 : i32
    %mul3A_89 = arith.constant 640 : i32
    %mul3A_90 = arith.muli %arg1, %mul3A_89 : i32
    "tpu.region"() ({
      %run_scoped3A_91 = tpu.sem_alloc : memref<!tpu.dma_semaphore, #tpu.memory_space<semaphore_mem>>
      %dma_start3A_92 = tpu.memref_slice %arg9[%arg0, %mul3A_90] : memref<2x10240xf32, #tpu.memory_space<hbm>> -> memref<1x640xf32, #tpu.memory_space<hbm>>
      %dma_start3A_93 = tpu.memref_squeeze %dma_start3A_92 : memref<1x640xf32, #tpu.memory_space<hbm>> -> memref<640xf32, #tpu.memory_space<hbm>>
      %dma_start3A_94 = tpu.memref_slice %arg15[%mul3A_88] : memref<10240xf32, #tpu.memory_space<vmem_shared>> -> memref<640xf32, #tpu.memory_space<vmem_shared>>
      tpu.enqueue_dma source(%dma_start3A_94 : memref<640xf32, #tpu.memory_space<vmem_shared>>) target(%dma_start3A_93 : memref<640xf32, #tpu.memory_space<hbm>>) target_semaphore(%run_scoped3A_91 : memref<!tpu.dma_semaphore, #tpu.memory_space<semaphore_mem>>)
      %dma_wait3A_95 = tpu.memref_slice %arg9[%arg0, %mul3A_90] : memref<2x10240xf32, #tpu.memory_space<hbm>> -> memref<1x640xf32, #tpu.memory_space<hbm>>
      %dma_wait3A_96 = tpu.memref_squeeze %dma_wait3A_95 : memref<1x640xf32, #tpu.memory_space<hbm>> -> memref<640xf32, #tpu.memory_space<hbm>>
      %dma_wait3A_97 = tpu.memref_slice %arg15[%mul3A_88] : memref<10240xf32, #tpu.memory_space<vmem_shared>> -> memref<640xf32, #tpu.memory_space<vmem_shared>>
      tpu.wait_dma2 semaphore(%run_scoped3A_91 : memref<!tpu.dma_semaphore, #tpu.memory_space<semaphore_mem>>) src(%dma_wait3A_97 : memref<640xf32, #tpu.memory_space<vmem_shared>>) dst(%dma_wait3A_96 : memref<640xf32, #tpu.memory_space<hbm>>)
      tpu.yield
    }) : () -> ()
    return
  }
}

module attributes {stable_mosaic.version = 14 : i64} {
  func.func @_tc_body(%arg0: i32, %arg1: memref<1000x256xf32, #tpu.memory_space<vmem>>, %arg2: memref<2x1000x128xf32, #tpu.memory_space<vmem>>, %arg3: memref<2x1000x1xf32, #tpu.memory_space<vmem>>, %arg4: memref<256x256xf32, #tpu.memory_space<vmem>>, %arg5: memref<2x128x256xf32, #tpu.memory_space<vmem>>, %arg6: memref<1x256xf32, #tpu.memory_space<vmem>>, %arg7: memref<1000x256xf32, #tpu.memory_space<vmem>>) attributes {dimension_semantics = [#tpu.dimension_semantics<arbitrary>], iteration_bounds = array<i64: 10>, scalar_prefetch = 0 : i64, scratch_operands = 0 : i64, tpu.core_type = #tpu.core_type<tc>, window_params = [{transform_indices = @transform_0, window_bounds = array<i64: 1000, 256>}, {transform_indices = @transform_1, window_bounds = array<i64: 2, 1000, 128>}, {transform_indices = @transform_2, window_bounds = array<i64: 2, 1000, 1>}, {pipeline_mode = #tpu.pipeline_mode<synchronous>, transform_indices = @transform_3, window_bounds = array<i64: 256, 256>}, {pipeline_mode = #tpu.pipeline_mode<synchronous>, transform_indices = @transform_4, window_bounds = array<i64: 2, 128, 256>}, {pipeline_mode = #tpu.pipeline_mode<synchronous>, transform_indices = @transform_5, window_bounds = array<i64: 1, 256>}, {transform_indices = @transform_6, window_bounds = array<i64: 1000, 256>}]} {
    %get3A = arith.constant 0 : index
    %get3A_0 = arith.constant 0 : index
    %get3A_1 = vector.load %arg1[%get3A, %get3A_0] : memref<1000x256xf32, #tpu.memory_space<vmem>>, vector<1000x256xf32>
    %get3A_2 = arith.constant 0 : index
    %get3A_3 = arith.constant 0 : index
    %get3A_4 = vector.load %arg4[%get3A_2, %get3A_3] : memref<256x256xf32, #tpu.memory_space<vmem>>, vector<256x256xf32>
    %dot_general3A = arith.constant dense<0.000000e+00> : vector<1000x256xf32>
    %dot_general3A_5 = tpu.matmul %get3A_1, %get3A_4, %dot_general3A {dimension_numbers = #tpu.dot_dimension_numbers<[1], [0], [0], [1], [0, 0, 1, 1], [], []>, transpose_lhs_hint = false} : vector<1000x256xf32>, vector<256x256xf32>, vector<1000x256xf32> -> vector<1000x256xf32>
    %get3A_6 = arith.constant 0 : index
    %get3A_7 = arith.constant 0 : index
    %get3A_8 = arith.constant 0 : index
    %get3A_9 = vector.load %arg2[%get3A_6, %get3A_7, %get3A_8] : memref<2x1000x128xf32, #tpu.memory_space<vmem>>, vector<1x1000x128xf32>
    %get3A_10 = vector.shape_cast %get3A_9 : vector<1x1000x128xf32> to vector<1000x128xf32>
    %get3A_11 = arith.constant 0 : index
    %get3A_12 = arith.constant 0 : index
    %get3A_13 = arith.constant 0 : index
    %get3A_14 = vector.load %arg5[%get3A_11, %get3A_12, %get3A_13] : memref<2x128x256xf32, #tpu.memory_space<vmem>>, vector<1x128x256xf32>
    %get3A_15 = vector.shape_cast %get3A_14 : vector<1x128x256xf32> to vector<128x256xf32>
    %dot_general3A_16 = arith.constant dense<0.000000e+00> : vector<1000x256xf32>
    %dot_general3A_17 = tpu.matmul %get3A_10, %get3A_15, %dot_general3A_16 {dimension_numbers = #tpu.dot_dimension_numbers<[1], [0], [0], [1], [0, 0, 1, 1], [], []>, transpose_lhs_hint = false} : vector<1000x128xf32>, vector<128x256xf32>, vector<1000x256xf32> -> vector<1000x256xf32>
    %get3A_18 = arith.constant 1 : index
    %get3A_19 = arith.constant 0 : index
    %get3A_20 = arith.constant 0 : index
    %get3A_21 = vector.load %arg2[%get3A_18, %get3A_19, %get3A_20] : memref<2x1000x128xf32, #tpu.memory_space<vmem>>, vector<1x1000x128xf32>
    %get3A_22 = vector.shape_cast %get3A_21 : vector<1x1000x128xf32> to vector<1000x128xf32>
    %get3A_23 = arith.constant 1 : index
    %get3A_24 = arith.constant 0 : index
    %get3A_25 = arith.constant 0 : index
    %get3A_26 = vector.load %arg5[%get3A_23, %get3A_24, %get3A_25] : memref<2x128x256xf32, #tpu.memory_space<vmem>>, vector<1x128x256xf32>
    %get3A_27 = vector.shape_cast %get3A_26 : vector<1x128x256xf32> to vector<128x256xf32>
    %dot_general3A_28 = arith.constant dense<0.000000e+00> : vector<1000x256xf32>
    %dot_general3A_29 = tpu.matmul %get3A_22, %get3A_27, %dot_general3A_28 {dimension_numbers = #tpu.dot_dimension_numbers<[1], [0], [0], [1], [0, 0, 1, 1], [], []>, transpose_lhs_hint = false} : vector<1000x128xf32>, vector<128x256xf32>, vector<1000x256xf32> -> vector<1000x256xf32>
    %add3A = arith.addf %dot_general3A_17, %dot_general3A_29 : vector<1000x256xf32>
    %get3A_30 = arith.constant 0 : index
    %get3A_31 = arith.constant 0 : index
    %get3A_32 = arith.constant 0 : index
    %get3A_33 = vector.load %arg3[%get3A_30, %get3A_31, %get3A_32] : memref<2x1000x1xf32, #tpu.memory_space<vmem>>, vector<1x1000x1xf32>
    %get3A_34 = vector.shape_cast %get3A_33 : vector<1x1000x1xf32> to vector<1000x1xf32>
    %get3A_35 = arith.constant 1 : index
    %get3A_36 = arith.constant 0 : index
    %get3A_37 = arith.constant 0 : index
    %get3A_38 = vector.load %arg3[%get3A_35, %get3A_36, %get3A_37] : memref<2x1000x1xf32, #tpu.memory_space<vmem>>, vector<1x1000x1xf32>
    %get3A_39 = vector.shape_cast %get3A_38 : vector<1x1000x1xf32> to vector<1000x1xf32>
    %add3A_40 = arith.addf %get3A_34, %get3A_39 : vector<1000x1xf32>
    %max3A = arith.constant 1.000000e+00 : f32
    %max3A_41 = vector.broadcast %max3A : f32 to vector<1000x1xf32>
    %max3A_42 = arith.maximumf %add3A_40, %max3A_41 : vector<1000x1xf32>
    %div3A = arith.constant 1.000000e+00 : f32
    %div3A_43 = vector.broadcast %div3A : f32 to vector<1000x1xf32>
    %div3A_44 = arith.divf %div3A_43, %max3A_42 : vector<1000x1xf32>
    %mul3A = vector.broadcast %div3A_44 : vector<1000x1xf32> to vector<1000x256xf32>
    %mul3A_45 = arith.mulf %add3A, %mul3A : vector<1000x256xf32>
    %add3A_46 = arith.addf %dot_general3A_5, %mul3A_45 : vector<1000x256xf32>
    %get3A_47 = arith.constant 0 : index
    %get3A_48 = arith.constant 0 : index
    %get3A_49 = vector.load %arg6[%get3A_47, %get3A_48] : memref<1x256xf32, #tpu.memory_space<vmem>>, vector<1x256xf32>
    %add3A_50 = vector.broadcast %get3A_49 : vector<1x256xf32> to vector<1000x256xf32>
    %add3A_51 = arith.addf %add3A_46, %add3A_50 : vector<1000x256xf32>
    %max3A_52 = arith.constant 0.000000e+00 : f32
    %max3A_53 = vector.broadcast %max3A_52 : f32 to vector<1000x256xf32>
    %max3A_54 = arith.maximumf %add3A_51, %max3A_53 : vector<1000x256xf32>
    %swap3A = arith.constant 0 : index
    %swap3A_55 = arith.constant 0 : index
    %swap3A_56 = vector.load %arg7[%swap3A, %swap3A_55] : memref<1000x256xf32, #tpu.memory_space<vmem>>, vector<1000x256xf32>
    tpu.vector_store %arg7[%swap3A, %swap3A_55], %max3A_54 {strides = array<i32>} : memref<1000x256xf32, #tpu.memory_space<vmem>>, vector<1000x256xf32>,
    return
  }
  func.func @transform_0(%arg0: i32) -> (i32, i32) {
    %c0_i32 = arith.constant 0 : i32
    %c0_i32_0 = arith.constant 0 : i32
    return %arg0, %c0_i32 : i32, i32
  }
  func.func @transform_1(%arg0: i32) -> (i32, i32, i32) {
    %c0_i32 = arith.constant 0 : i32
    %c0_i32_0 = arith.constant 0 : i32
    %c0_i32_1 = arith.constant 0 : i32
    return %c0_i32, %arg0, %c0_i32_0 : i32, i32, i32
  }
  func.func @transform_2(%arg0: i32) -> (i32, i32, i32) {
    %c0_i32 = arith.constant 0 : i32
    %c0_i32_0 = arith.constant 0 : i32
    %c0_i32_1 = arith.constant 0 : i32
    return %c0_i32, %arg0, %c0_i32_0 : i32, i32, i32
  }
  func.func @transform_3(%arg0: i32) -> (i32, i32) {
    %c0_i32 = arith.constant 0 : i32
    %c0_i32_0 = arith.constant 0 : i32
    %c0_i32_1 = arith.constant 0 : i32
    return %c0_i32, %c0_i32_0 : i32, i32
  }
  func.func @transform_4(%arg0: i32) -> (i32, i32, i32) {
    %c0_i32 = arith.constant 0 : i32
    %c0_i32_0 = arith.constant 0 : i32
    %c0_i32_1 = arith.constant 0 : i32
    %c0_i32_2 = arith.constant 0 : i32
    return %c0_i32, %c0_i32_0, %c0_i32_1 : i32, i32, i32
  }
  func.func @transform_5(%arg0: i32) -> (i32, i32) {
    %c0_i32 = arith.constant 0 : i32
    %c0_i32_0 = arith.constant 0 : i32
    %c0_i32_1 = arith.constant 0 : i32
    return %c0_i32, %c0_i32_0 : i32, i32
  }
  func.func @transform_6(%arg0: i32) -> (i32, i32) {
    %c0_i32 = arith.constant 0 : i32
    %c0_i32_0 = arith.constant 0 : i32
    return %arg0, %c0_i32 : i32, i32
  }
}

</mosaic_0001>

<sc_bundles>
// kernel: kernel.4.cloned.1.call-start
scs
__scs_entry_jumppad:
0x0: {  	(pc) =	sbr.rel $0x88, $3  }
0x1: {  	(tag) =	ssettag $0x0;
	lr =	simm.s32 $0x1  }
0x2: {  	[smem:$0x3F9C] =	sst lr;
	_ =	strace $0xD0000000  }
0x3: {  	_ = 	snop  }
0x4: {  	_ = 	snop  }
0x5: {  	_ = 	snop  }
0x6: {  	_ = 	snop  }
0x7: {  	_ = 	snop  }
__scs_overlays_trampoline_lowered:
0x8: {  	[smem:$0x3FAB] =	sst s0  }
0x9: {  	[smem:$0x3FAC] =	sst s1  }
0xa: {  	[smem:$0x3FAD] =	sst s2  }
0xb: {  	[smem:$0x3FAE] =	sst s3  }
0xc: {  	[smem:$0x3FAF] =	sst s4  }
0xd: {  	[smem:$0x3FB0] =	sst s5  }
0xe: {  	[smem:$0x3FB1] =	sst s6  }
0xf: {  	[smem:$0x3FB2] =	sst s7  }
0x10: {  	[smem:$0x3FB3] =	sst s8  }
0x11: {  	[smem:$0x3FB4] =	sst s9;
	s0 =	simm.s32 @!p0 $0x0  }
0x12: {  	s1 =	sld [smem:$0x3F9A];
	s0 =	simm.s32 @p0 $0x1  }
0x13: {  	[smem:$0x3FB5] =	sst s0;
	s0 =	simm.s32 @!p1 $0x0  }
0x14: {  	s2 =	sld [smem:$0x3F99];
	s0 =	simm.s32 @p1 $0x1  }
0x15: {  	[smem:$0x3FB6] =	sst s0;
	s0 =	simm.s32 @!p2 $0x0  }
0x16: {  	s3 =	sld [smem:$0x3FDB];
	s0 =	simm.s32 @p2 $0x1  }
0x17: {  	s4 =	simm.s32 $0x1BF5;
	[smem:$0x3FB8] =	sst s0  }
0x18: {  	s0 =	sld [smem:$0x3F9B];
	_ =	swait.ge [sflag:s4], $0x0  }
0x19: {  	s7 =	sld [smem:$0x3F9C]  }
0x1a: {  	s8 =	sadd.s32 $0xFFFFE003, lr  }
0x1b: {  	s9 =	sadd.s32 $0xFFFFFEF7, lr;
	s5 =	simm.s32 $0xFFFFFFFF;
	p2 =	slt.u32 s8, $0xFFFFF086  }
0x1c: {  	p1 =	slt.u32 s9, $0xF7A;
	s5 =	simm.s32 @!p2 $0x0  }
0x1d: {  	s5 =	simm.s32 @p1 $0x1;
	p0 =	seq.s32 s7, s2  }
0x1e: {  	s7 =	smul.u32 @!p0 $0xF7A, s2;
	p2 =	seq.s32 @!p0 s5, $0x0  }
0x1f: {  	s9 =	smul.u32 $0xF7A, s1;
	s8 =	simm.s32 @!p0 $0x1BF5;
	p2 =	por !p2, p0  }
0x20: {  	[sflag:s8] =	ssyncset.s32 @!p0 $0xFFFFF086;
	s6 =	sadd.s32 @!p0 s3, s7;
	s7 =	simm.s32 @!p0 $0x108  }
0x21: {  	s3 =	sadd.s32 s3, s9;
	s6 =	sadd.s32 @!p0 $0x88, s6;
	s7 =	simm.s32 @p2 $0x1082  }
0x22: {  	[simem:s7], [sflag:s8] =	dma.local @!p0 [hbm:s6], $0xF7A  }
0x23: {  	s9 =	sor.u32 $0xD0000000, s2;
	s6 =	simm.s32 $0x108;
	_ =	swait.ge @!p0 [sflag:s8], $0x0  }
0x24: {  	s3 =	sadd.s32 $0x88, s3;
	s6 =	simm.s32 @!p1 $0x1082;
	[sflag:s4] =	ssyncset.s32 $0xFFFFF086  }
0x25: {  	[simem:s6], [sflag:s4] =	dma.local [hbm:s3], $0xF7A  }
0x26: {  	[smem:$0x3F9C] =	sst s1;
	(tag) =	ssettag s2;
	_ =	strace s9  }
0x27: {  	s1 =	sld [smem:$0x3FAC]  }
0x28: {  	s2 =	sld [smem:$0x3FAD]  }
0x29: {  	s4 =	sld [smem:$0x3FAF]  }
0x2a: {  	p0 =	seq.s32 s5, $0x0;
	s5 =	sld [smem:$0x3FB0]  }
0x2b: {  	s6 =	sld [smem:$0x3FB1]  }
0x2c: {  	s7 =	sld [smem:$0x3FB2]  }
0x2d: {  	s3 =	simm.s32 $0x108;
	s8 =	sld [smem:$0x3FB3]  }
0x2e: {  	s3 =	simm.s32 @!p0 $0x1082;
	s9 =	sld [smem:$0x3FB4]  }
0x2f: {  	lr =	sadd.s32 s0, s3;
	s0 =	sld [smem:$0x3FAB]  }
0x30: {  	s3 =	sld [smem:$0x3FAE]  }
0x31: {  	[smem:$0x3FB7] =	sst s10  }
0x32: {  	s10 =	sld [smem:$0x3FB5];
	_ =	sdelay $0x3  }
0x33: {  	p0 =	seq.s32 s10, $0x1;
	s10 =	sld [smem:$0x3FB7];
	_ =	sdelay $0x3  }
0x34: {  	[smem:$0x3FB7] =	sst s10  }
0x35: {  	s10 =	sld [smem:$0x3FB6];
	_ =	sdelay $0x3  }
0x36: {  	p1 =	seq.s32 s10, $0x1;
	s10 =	sld [smem:$0x3FB7];
	_ =	sdelay $0x3  }
0x37: {  	[smem:$0x3FB7] =	sst s10  }
0x38: {  	s10 =	sld [smem:$0x3FB8]  }
0x39: {  	_ = 	snop;
	(pc) =	sbr.ind lr, $3  }
0x3a: {  	_ = 	snop  }
0x3b: {  	_ = 	snop  }
0x3c: {  	p2 =	seq.s32 s10, $0x1;
	s10 =	sld [smem:$0x3FB7]  }
0x3d: {  	_ =	shalt  }
0x3e: {  	_ =	shalt  }
0x3f: {  	_ =	shalt  }
0x40: {  	_ =	shalt  }
0x41: {  	_ =	shalt  }
0x42: {  	_ =	shalt  }
0x43: {  	_ =	shalt  }
0x44: {  	_ =	shalt  }
0x45: {  	_ =	shalt  }
0x46: {  	_ =	shalt  }
0x47: {  	_ =	shalt  }
0x48: {  	_ =	shalt  }
0x49: {  	_ =	shalt  }
0x4a: {  	_ =	shalt  }
0x4b: {  	_ =	shalt  }
0x4c: {  	_ =	shalt  }
0x4d: {  	_ =	shalt  }
0x4e: {  	_ =	shalt  }
0x4f: {  	_ =	shalt  }
0x50: {  	_ =	shalt  }
0x51: {  	_ =	shalt  }
0x52: {  	_ =	shalt  }
0x53: {  	_ =	shalt  }
0x54: {  	_ =	shalt  }
0x55: {  	_ =	shalt  }
0x56: {  	_ =	shalt  }
0x57: {  	_ =	shalt  }
0x58: {  	_ =	shalt  }
0x59: {  	_ =	shalt  }
0x5a: {  	_ =	shalt  }
0x5b: {  	_ =	shalt  }
0x5c: {  	_ =	shalt  }
0x5d: {  	_ =	shalt  }
0x5e: {  	_ =	shalt  }
0x5f: {  	_ =	shalt  }
0x60: {  	_ =	shalt  }
0x61: {  	_ =	shalt  }
0x62: {  	_ =	shalt  }
0x63: {  	_ =	shalt  }
0x64: {  	_ =	shalt  }
0x65: {  	_ =	shalt  }
0x66: {  	_ =	shalt  }
0x67: {  	_ =	shalt  }
0x68: {  	_ =	shalt  }
0x69: {  	_ =	shalt  }
0x6a: {  	_ =	shalt  }
0x6b: {  	_ =	shalt  }
0x6c: {  	_ =	shalt  }
0x6d: {  	_ =	shalt  }
0x6e: {  	_ =	shalt  }
0x6f: {  	_ =	shalt  }
0x70: {  	_ =	shalt  }
0x71: {  	_ =	shalt  }
0x72: {  	_ =	shalt  }
0x73: {  	_ =	shalt  }
0x74: {  	_ =	shalt  }
0x75: {  	_ =	shalt  }
0x76: {  	_ =	shalt  }
0x77: {  	_ =	shalt  }
0x78: {  	_ =	shalt  }
0x79: {  	_ =	shalt  }
0x7a: {  	_ =	shalt  }
0x7b: {  	_ =	shalt  }
0x7c: {  	_ =	shalt  }
0x7d: {  	_ =	shalt  }
0x7e: {  	_ =	shalt  }
0x7f: {  	_ =	shalt  }
0x80: {  	_ =	shalt  }
0x81: {  	_ =	shalt  }
0x82: {  	_ =	shalt  }
0x83: {  	_ =	shalt  }
0x84: {  	_ =	shalt  }
0x85: {  	_ =	shalt  }
0x86: {  	_ =	shalt  }
0x87: {  	_ =	shalt  }
.Lfunc_end0:
.L_simem_size_0:
called_computation_lowered:
.L_overlay_start_0:
0x88: {  	s2 =	sld [smem:$0x3FD9]  }
0x89: {  	s3 =	sld [smem:$0x3FFE];
	_ =	sdelay $0x1  }
0x8a: {  	s1 =	srdreg.scid  }
0x8b: {  	s0 =	sand.u32 $0x1, s1  }
0x8c: {  	s17 =	sshll.u32 s0, $0xA;
	s2 =	sadd.s32 s3, s2  }
0x8d: {  	s2 =	sadd.s32 s2, s17  }
0x8e: {  	[smem:$0x3FC3] =	sst s2  }
0x8f: {  	_ = 	snop  }
0x90: {  	s2 =	sld [smem:$0x3FD0];
	(tm) =	ssettm $0x1  }
0x91: {  	s18 =	sld [smem:$0x3FFB];
	_ =	sdelay $0x3  }
0x92: {  	_ =	strace s18  }
0x93: {  	s3 =	sld [smem:$0x3FFC];
	_ =	sdelay $0x3  }
0x94: {  	_ =	strace s3  }
0x95: {  	s3 =	sld [smem:$0x3FFD];
	_ =	sdelay $0x3  }
0x96: {  	_ =	strace s3  }
0x97: {  	_ =	strace $0x8FFFFFFF  }
0x98: {  	s19 =	sld [smem:$0x3FDB];
	_ =	sdelay $0x1  }
0x99: {  	s4 =	simm.s32 $_scs_section_size  }
0x9a: {  	s5 =	simm.s32 $_size__tile_overlayer_lowered;
	s6 =	simm.s32 $_tile_overlayer_lowered  }
0x9b: {  	s22 =	simm.s32 $0x1BFF;
	s21 =	sshll.u32 s6, $0x1;
	s3 =	sadd.s32 s4, s19  }
0x9c: {  	s7 =	simm.s32 $0x0;
	s20 =	sshll.u32 s5, $0x1;
	s5 =	sadd.s32 s21, s3  }
0x9d: {  	[timem:s7], [sflag:s22] =	dma.local [hbm:s5], s20  }
0x9e: {  	_ =	swait.ge [sflag:s22], s20  }
0x9f: {  	s4 =	ssub.s32 $0x0, s20;
	[sflag:s22] =	ssyncset.done $0x0  }
0xa0: {  	[sflag:s22] =	ssyncadd.s32 s4;
	_ =	sdelay $0x1  }
0xa1: {  	s23 =	simm.s32 $0x1B8B  }
0xa2: {  	_ =	swait.ge [sflag:s23], $0x1  }
0xa3: {  	[sflag:s23] =	ssyncset.done $0x0  }
0xa4: {  	s25 =	simm.s32 $0x1B8E;
	s24 =	sld [smem:$0x3FFE];
	[sflag:s23] =	ssyncadd.s32 $0xFFFFFFFF  }
0xa5: {  	s26 =	simm.s32 $execute0_lowered;
	[smem:$0x3FD2] =	sst s25  }
0xa6: {  	s5 =	sshll.u32 s26, $0x1;
	_ =	strace $0x80000046;
	[dreg:$0x1] =	wrdreg $0xFFFFFFFF  }
0xa7: {  	s28 =	simm.s32 $_size_execute0_lowered;
	s3 =	sadd.s32 s3, s5;
	[dreg:$0x0] =	wrdreg $0x0  }
0xa8: {  	s5 =	sshll.u32 s28, $0x1;
	[dreg:$0x2] =	wrdreg s3  }
0xa9: {  	[dreg:$0x3] =	wrdreg s5  }
0xaa: {  	[dreg:$0x4] =	wrdreg $0xC0  }
0xab: {  	_ =	task [dreg:s7], $0x5FFFF  }
0xac: {  	[dreg:$0x1] =	wrdreg $0xFFFFFFFF  }
0xad: {  	[dreg:$0x0] =	wrdreg $0x60  }
0xae: {  	[dreg:$0x2] =	wrdreg s2  }
0xaf: {  	[dreg:$0x3] =	wrdreg s24  }
0xb0: {  	[dreg:$0x4] =	wrdreg $0xA8800  }
0xb1: {  	[dreg:$0x5] =	wrdreg $0x1E8800  }
0xb2: {  	[dreg:$0x6] =	wrdreg $0x9  }
0xb3: {  	_ =	task.clear_ibuf [dreg:s7], $0x7FFFF;
	_ =	strace $0x90000046  }
0xb4: {  	s29 =	simm.s32 $0x9;
	_ =	strace $0x80000048  }
0xb5: {  	_ =	swait.ge [sflag:s29], $0x1  }
0xb6: {  	[sflag:s29] =	ssyncadd.s32 $0xFFFFFFFF  }
0xb7: {  	_ =	strace $0x90000048  }
0xb8: {  	_ =	sfence  }
0xb9: {  	s30 =	sld [smem:$0x0];
	_ =	sdelay $0x2  }
0xba: {  	s31 =	sshll.u32 s1, $0xD;
	s1 =	sshrl.u32 s1, $0x2  }
0xbb: {  	s3 =	sand.u32 $0x4000, s31;
	s1 =	sadd.s32 s1, s30  }
0xbc: {  	s0 =	sor.u32 s3, s0;
	s1 =	sshll.u32 s1, $0x11  }
0xbd: {  	s0 =	sor.u32 s1, s0  }
0xbe: {  	s0 =	sadd.s32 $0x8F2B, s0  }
0xbf: {  	[sflag:s0] =	ssyncadd.remote.s32 $0x1  }
0xc0: {  	_ =	sfence.sel $0xFFFF  }
0xc1: {  	[dreg:$0x0] =	wrdreg $0xFFFFFFFF;
	(pc) =	sbr.abs _section_cstart, $3  }
0xc2: {  	[dreg:$0x1] =	wrdreg $0xFFFFFFFF  }
0xc3: {  	_ =	task.clear_ibuf [dreg:s7], $0x2FFFF;
	_ =	strace $0x9FFFFFFF  }
0xc4: {  	(tm) =	ssettm $0x7FFFFFFF  }
0xc5: {  	_ =	shalt  }
tec
execute0_lowered:
.L_overlay_start_1:
0x0: {  	(tag) =	ssettag $0x1  }
0x1: {  	s0 =	rddreg [dreg:$0x0]  }
0x2: {  	s1 =	rddreg [dreg:$0x1];
	s19 =	stileid.u32  }
0x3: {  	s2 =	srdreg.scid;
	s7 =	smul.u32 $0x2800, s19  }
0x4: {  	s3 =	rddreg [dreg:$0x2];
	s9 =	smul.u32 $0x14000, s19  }
0x5: {  	s4 =	rddreg [dreg:$0x3];
	s5 =	simm.s32 $0x0;
	s10 =	smul.u32 $0x500, s19  }
0x6: {  	s21 =	simm.s32 $0x1400;
	s29 =	simm.s32 $0x10;
	s11 =	smul.u32 $0x50000, s19  }
0x7: {  	s30 =	simm.s32 $0x0;
	s2 =	sand.u32 $0x1, s2;
	s16 =	smul.u32 $0xA00, s19  }
0x8: {  	[smem:$0x7FF] =	sst s5;
	s26 =	sshll.u32 s19, $0x6;
	s6 =	smul.u32 $0x28000, s2  }
0x9: {  	s8 =	smul.u32 $0x140000, s2;
	_ =	strace $0x80000047;
	s23 =	sshll.u32 s2, $0x7  }
0xa: {  	s24 =	ssub.s32 $0x2, s2;
	p0 =	sne.s32 s2, $0x0;
	p1 =	seq.s32 s2, $0x0  }
0xb: {  	s22 =	sshrl.u32 s7, $0x3;
	s15 =	sshrl.u32 s24, $0x1;
	s25 =	sshrl.u32 s11, $0x2  }
0xc: {  	s28 =	sshrl.u32 s16, $0x2;
	s6 =	sadd.s32 s7, s6;
	s13 =	sadd.s32 s22, s1  }
0xd: {  	s8 =	sadd.s32 s9, s8;
	s7 =	sadd.s32 $0x10800, s1;
	s17 =	ssub.s32 s24, s15  }
0xe: {  	s18 =	sadd.s32 s25, s3;
	s31 =	sadd.s32 s28, s4;
	s22 =	simm.s32 $0x80  }
0xf: {  	s25 =	simm.s32 $0x4;
	s6 =	sshrl.u32 s6, $0x3;
	s9 =	sshrl.u32 s8, $0x3  }
0x10: {  	s8 =	sadd.s32 $0x10600, s1;
	s11 =	sadd.s32 $0x1600, s13;
	s13 =	sadd.s32 $0x1880, s13  }
0x11: {  	s16 =	smax.u32 s17, $0x1;
	s17 =	sshrl.u32 s18, $0x3;
	s18 =	simm.s32 $0x6  }
.Ltmp0:
0x12: {  	s19 =	sshrl.u32 s31, $0x3;
	s12 =	sadd.s32 s6, s1;
	(pc) =	sbr.rel .LBB2_1-.Ltmp0, $4  }
0x13: {  	s6 =	sadd.s32 $0x10A00, s1;
	s14 =	sadd.s32 s9, s1;
	s9 =	sor.u32 s23, s10  }
0x14: {  	s23 =	simm.s32 $0x2800;
	s9 =	sshrl.u32 s9, $0x3;
	s10 =	sadd.s32 $0x6600, s12  }
0x15: {  	s12 =	sadd.s32 $0x6880, s12;
	s14 =	sadd.s32 $0x13C00, s14;
	s1 =	sadd.s32 s9, s1  }
0x16: {  	s9 =	sor.u32 $0x1C06, s26;
	s26 =	simm.s32 $0x5;
	s15 =	sadd.s32 $0x13200, s1  }
.LBB2_16:
0x17: {  	[sflag:s26] =	ssyncadd.s32 $0xFFFFFF80  }
.LBB2_17:
0x18: {  	[bflag:$0x0] =	sbarrier.arrive $0xFFFF  }
0x19: {  	[hbm:s14], [sflag:s9] =	dma.local [spmem:s17], $0x2800  }
0x1a: {  	s30 =	sadd.s32 $0x1, s30;
	_ =	swait.ge [sflag:s18], $0x2800  }
0x1b: {  	s1 =	simm.s32 $0x1;
	p2 =	sne.s32 s30, s16;
	[sflag:s18] =	ssyncset.done $0x0  }
.Ltmp1:
0x1c: {  	s2 =	simm.s32 $0x20;
	[sflag:s18] =	ssyncadd.s32 $0xFFFFD800;
	(pc) =	sbr.rel @!p2 .LBB2_18-.Ltmp1, $4  }
0x1d: {  	[hbm:s15@s2], [sflag:s9] =	dma.strided [spmem:s19@s29], $0x50, s1, $0x10   }
0x1e: {  	_ =	swait.ge [sflag:s18], $0x50  }
0x1f: {  	[sflag:s18] =	ssyncset.done $0x0  }
0x20: {  	[sflag:s18] =	ssyncadd.s32 $0xFFFFFFB0  }
.LBB2_1:
0x21: {  	[spmem:s17], [sflag:s9] =	dma.local [hbm:s6], $0x2800  }
0x22: {  	_ =	swait.ge [sflag:s18], $0x2800  }
0x23: {  	[sflag:s18] =	ssyncset.done $0x0  }
0x24: {  	[sflag:s18] =	ssyncadd.s32 $0xFFFFD800  }
0x25: {  	[spmem:s19], [sflag:s9] =	dma.local [hbm:s7], $0x50  }
0x26: {  	_ =	swait.ge [sflag:s18], $0x50  }
0x27: {  	[sflag:s18] =	ssyncset.done $0x0  }
0x28: {  	s1 =	simm.s32 $0xA800;
	[sflag:s18] =	ssyncadd.s32 $0xFFFFFFB0  }
0x29: {  	[tilespmem:s1], [sflag:$0x6] =	stream.linear.gather [hbm4b:s8+s5], $0x80, $0x38;
	[tilespmem:$0x1EB00] =	vst v63  }
0x2a: {  	_ =	swait.ge [sflag:s18], $0x80  }
0x2b: {  	[sflag:s18] =	ssyncset.done $0x0  }
0x2c: {  	[sflag:s18] =	ssyncadd.s32 $0xFFFFFF80  }
0x2d: {  	[bflag:$0x0] =	sbarrier.arrive $0xFFFF  }
0x2e: {  	[tilespmem:s5], [sflag:$0x6] =	stream.linear.gather [hbm4b:s10+s5], $0x1400, $0x38;
	[tilespmem:$0x1EB00] =	vst v63  }
0x2f: {  	_ =	swait.ge [sflag:s18], $0x1400  }
0x30: {  	[sflag:s18] =	ssyncset.done $0x0  }
0x31: {  	[sflag:s18] =	ssyncadd.s32 $0xFFFFEC00  }
0x32: {  	[tilespmem:s21], [sflag:$0x6] =	stream.linear.gather [hbm4b:s11+s5], $0x1400, $0x38;
	[tilespmem:$0x1EB00] =	vst v63  }
.Ltmp2:
0x33: {  	_ = 	snop;
	(pc) =	sbr.rel .LBB2_2-.Ltmp2, $4  }
0x34: {  	_ =	swait.ge [sflag:s18], $0x1400  }
0x35: {  	[sflag:s18] =	ssyncset.done $0x0  }
0x36: {  	s2 =	simm.s32 $0x0;
	[sflag:s18] =	ssyncadd.s32 $0xFFFFEC00  }
0x37: {  	[tilespmem:s23], [sflag:$0x1] =	stream.indirect.gather [hbm4b:s0+s22], $0x80, s5, s22, $0xb8;
	[tilespmem:$0x1EB00] =	vst v63  }
.LBB2_4:
0x38: {  	s20 =	sadd.s32 $0x1, s31;
	s24 =	sshll.u32 s31, $0xE;
	s2 =	sshll.u32 s2, $0x7  }
0x39: {  	s31 =	sadd.s32 $0x3, s31;
	p2 =	slt.u32 s1, $0x28;
	_ =	swait.ge [sflag:s20], $0x4000  }
0x3a: {  	s24 =	sor.u32 $0x2800, s24;
	s2 =	sand.u32 $0x3FFFFF80, s2;
	[sflag:s20] =	ssyncset.done $0x0  }
.Ltmp3:
0x3b: {  	s2 =	sadd.s32 $0x1400, s2;
	[sflag:s20] =	ssyncadd.s32 $0xFFFFC000;
	(pc) =	sbr.rel @!p2 .LBB2_5-.Ltmp3, $4  }
0x3c: {  	[spmem:s3] =	stream.indirect.scatter.add.f32 [tilespmem:s24], [sflag:s31], $0x80, s2, s22, $0xb8;
	[tilespmem:$0x1EB00] =	vst v63  }
0x3d: {  	s20 =	simm.s32 @!p0 $0x80;
	s24 =	simm.s32 @!p0 $0xA800  }
0x3e: {  	[spmem:s4] =	stream.indirect.scatter.add.f32 @!p0 [tilespmem:s24], [sflag:$0x5], $0x1, s2, s20, $0xb8;
	[tilespmem:$0x1EB00] =	vst v63  }
0x3f: {  	s2 =	smov.u32 s1  }
.LBB2_2:
0x40: {  	p2 =	seq.s32 s2, $0x0  }
0x41: {  	p3 =	seq.s32 @!p2 s2, $0x27  }
0x42: {  	s31 =	sand.u32 $0x1, s2;
	p3 =	por p2, !p3  }
.Ltmp4:
0x43: {  	s20 =	sxor.u32 @!p2 $0x1, s31;
	(pc) =	sbr.rel @!p3 .LBB2_4-.Ltmp4, $4  }
0x44: {  	s1 =	sadd.s32 @!p2 $0x3, s20  }
0x45: {  	_ =	swait.ge @!p2 [sflag:s1], $0x4000  }
0x46: {  	[sflag:s1] =	ssyncset.done @!p2 $0x0  }
0x47: {  	[sflag:s1] =	ssyncadd.s32 @!p2 $0xFFFFC000;
	s1 =	simm.s32 @!p2 $0x28  }
.Ltmp5:
0x48: {  	s1 =	sadd.s32 @!p2 $0x1, s2;
	(pc) =	sbr.rel .LBB2_4-.Ltmp5, $4  }
0x49: {  	s20 =	simm.s32 @p2 $0x1;
	s1 =	simm.s32 @p2 $0x1  }
0x4a: {  	s24 =	sshll.u32 s20, $0xE;
	s28 =	sshll.u32 s1, $0x7  }
0x4b: {  	s20 =	sadd.s32 $0x1, s20;
	s24 =	sor.u32 $0x2800, s24;
	s28 =	sand.u32 $0x3FFFFF80, s28  }
0x4c: {  	[tilespmem:s24], [sflag:s20] =	stream.indirect.gather [hbm4b:s0+s22], $0x80, s28, s22, $0xb8;
	[tilespmem:$0x1EB00] =	vst v63  }
.LBB2_5:
.Ltmp6:
0x4d: {  	(pc) =	sbr.rel @p0 .LBB2_9-.Ltmp6, $4  }
0x4e: {  	_ = 	snop  }
0x4f: {  	_ =	swait.ge [sflag:s25], $0x4000  }
0x50: {  	[sflag:s25] =	ssyncset.done $0x0  }
0x51: {  	s1 =	simm.s32 $0x28;
	[sflag:s25] =	ssyncadd.s32 $0xFFFFC000  }
0x52: {  	_ =	swait.ge [sflag:s26], $0x80  }
0x53: {  	s1 =	sadd.s32 $0xFFFFFFFF, s1;
	[sflag:s26] =	ssyncset.done $0x0  }
.LBB2_7:
0x54: {  	p2 =	sne.s32 s1, $0x1;
	s1 =	sadd.s32 $0xFFFFFFFF, s1;
	[sflag:s26] =	ssyncadd.s32 $0xFFFFFF80  }
.Ltmp7:
0x55: {  	(pc) =	sbr.rel @p2 .LBB2_7-.Ltmp7, $3  }
0x56: {  	_ =	sdelay $0x1  }
0x57: {  	_ =	swait.ge [sflag:s26], $0x80  }
0x58: {  	[sflag:s26] =	ssyncset.done $0x0  }
0x59: {  	[sflag:s26] =	ssyncadd.s32 $0xFFFFFF80  }
.LBB2_9:
0x5a: {  	s31 =	simm.s32 $0x0  }
0x5b: {  	[tilespmem:s31], [sflag:$0x6] =	stream.linear.gather [hbm4b:s12+s31], $0x1400, $0x38;
	[tilespmem:$0x1EB00] =	vst v63  }
0x5c: {  	_ =	swait.ge [sflag:s18], $0x1400  }
0x5d: {  	[sflag:s18] =	ssyncset.done $0x0  }
0x5e: {  	[sflag:s18] =	ssyncadd.s32 $0xFFFFEC00  }
0x5f: {  	[tilespmem:s21], [sflag:$0x6] =	stream.linear.gather [hbm4b:s13+s31], $0x1400, $0x38;
	[tilespmem:$0x1EB00] =	vst v63  }
.Ltmp8:
0x60: {  	_ = 	snop;
	(pc) =	sbr.rel .LBB2_10-.Ltmp8, $4  }
0x61: {  	_ =	swait.ge [sflag:s18], $0x1400  }
0x62: {  	[sflag:s18] =	ssyncset.done $0x0  }
0x63: {  	[sflag:s18] =	ssyncadd.s32 $0xFFFFEC00  }
0x64: {  	[tilespmem:s23], [sflag:$0x1] =	stream.indirect.gather [hbm4b:s0+s22], $0x80, s31, s22, $0xb8;
	[tilespmem:$0x1EB00] =	vst v63  }
.LBB2_12:
0x65: {  	s20 =	sadd.s32 $0x1, s2;
	s24 =	sshll.u32 s2, $0xE;
	s28 =	sshll.u32 s31, $0x7  }
0x66: {  	p2 =	slt.u32 s1, $0x28;
	_ =	swait.ge [sflag:s20], $0x4000;
	s24 =	sor.u32 $0x2800, s24  }
.Ltmp9:
0x67: {  	s28 =	sand.u32 $0x3FFFFF80, s28;
	[sflag:s20] =	ssyncset.done $0x0;
	(pc) =	sbr.rel @!p2 .LBB2_13-.Ltmp9, $4  }
0x68: {  	[sflag:s20] =	ssyncadd.s32 $0xFFFFC000;
	s20 =	sadd.s32 $0x1400, s28;
	s28 =	sadd.s32 $0x3, s2  }
0x69: {  	[spmem:s3] =	stream.indirect.scatter.add.f32 [tilespmem:s24], [sflag:s28], $0x80, s20, s22, $0xb8;
	[tilespmem:$0x1EB00] =	vst v63  }
0x6a: {  	s31 =	smov.u32 s1;
	s2 =	simm.s32 @!p1 $0x80;
	s24 =	simm.s32 @!p1 $0xA800  }
0x6b: {  	[spmem:s4] =	stream.indirect.scatter.add.f32 @!p1 [tilespmem:s24], [sflag:$0x5], $0x1, s20, s2, $0xb8;
	[tilespmem:$0x1EB00] =	vst v63  }
.LBB2_10:
0x6c: {  	p2 =	seq.s32 s31, $0x0  }
0x6d: {  	p3 =	seq.s32 @!p2 s31, $0x27  }
0x6e: {  	s2 =	sand.u32 $0x1, s31;
	p3 =	por p2, !p3  }
.Ltmp10:
0x6f: {  	s20 =	sxor.u32 @!p2 $0x1, s2;
	(pc) =	sbr.rel @!p3 .LBB2_12-.Ltmp10, $4  }
0x70: {  	s1 =	sadd.s32 @!p2 $0x3, s20  }
0x71: {  	_ =	swait.ge @!p2 [sflag:s1], $0x4000  }
0x72: {  	[sflag:s1] =	ssyncset.done @!p2 $0x0  }
0x73: {  	[sflag:s1] =	ssyncadd.s32 @!p2 $0xFFFFC000;
	s1 =	simm.s32 @!p2 $0x28  }
.Ltmp11:
0x74: {  	s1 =	sadd.s32 @!p2 $0x1, s31;
	(pc) =	sbr.rel .LBB2_12-.Ltmp11, $4  }
0x75: {  	s20 =	simm.s32 @p2 $0x1;
	s1 =	simm.s32 @p2 $0x1  }
0x76: {  	s24 =	sshll.u32 s20, $0xE;
	s28 =	sshll.u32 s1, $0x7  }
0x77: {  	s20 =	sadd.s32 $0x1, s20;
	s24 =	sor.u32 $0x2800, s24;
	s28 =	sand.u32 $0x3FFFFF80, s28  }
0x78: {  	[tilespmem:s24], [sflag:s20] =	stream.indirect.gather [hbm4b:s0+s22], $0x80, s28, s22, $0xb8;
	[tilespmem:$0x1EB00] =	vst v63  }
.LBB2_13:
.Ltmp12:
0x79: {  	(pc) =	sbr.rel @p1 .LBB2_17-.Ltmp12, $4  }
0x7a: {  	_ = 	snop  }
0x7b: {  	_ =	swait.ge [sflag:s25], $0x4000  }
0x7c: {  	[sflag:s25] =	ssyncset.done $0x0  }
0x7d: {  	s1 =	simm.s32 $0x28;
	[sflag:s25] =	ssyncadd.s32 $0xFFFFC000  }
0x7e: {  	_ =	swait.ge [sflag:s26], $0x80  }
0x7f: {  	s1 =	sadd.s32 $0xFFFFFFFF, s1;
	[sflag:s26] =	ssyncset.done $0x0  }
.LBB2_15:
0x80: {  	p2 =	sne.s32 s1, $0x1;
	s1 =	sadd.s32 $0xFFFFFFFF, s1;
	[sflag:s26] =	ssyncadd.s32 $0xFFFFFF80  }
.Ltmp13:
0x81: {  	(pc) =	sbr.rel @p2 .LBB2_15-.Ltmp13, $3  }
0x82: {  	_ =	sdelay $0x1  }
0x83: {  	_ =	swait.ge [sflag:s26], $0x80  }
0x84: {  	[sflag:s26] =	ssyncset.done $0x0  }
.Ltmp14:
0x85: {  	_ = 	snop;
	(pc) =	sbr.rel .LBB2_16-.Ltmp14, $1  }
0x86: {  	_ =	sdelay $0x3  }
.LBB2_18:
0x87: {  	_ =	sfence.sel $0x180000  }
0x88: {  	[bflag:$0x0] =	sbarrier.arrive $0xFFFF  }
0x89: {  	_ =	strace $0x90000047  }
0x8a: {  	s0 =	stileid.u32;
	[bflag:$0x2] =	sbarrier.arrive $0xFFFF  }
0x8b: {  	p0 =	sne.s32 s0, $0x0;
	s0 =	rddreg [dreg:$0x4]  }
0x8c: {  	s0 =	sadd.s32 @!p0 $0x100000, s0  }
0x8d: {  	[sflag:s0] =	ssyncadd.tile.s32 @!p0 $0x1;
	_ =	shalt  }
.Lfunc_end2:
_tile_overlayer_lowered:
.L_overlay_start_2:
0x8e: {  	(tag) =	ssettag $0x2  }
0x8f: {  	s0 =	rddreg [dreg:$0x0];
	s2 =	stileid.u32  }
0x90: {  	s1 =	rddreg [dreg:$0x1];
	p0 =	sne.s32 s2, $0x0  }
0x91: {  	s3 =	rddreg [dreg:$0x2];
	[bflag:$0x3] =	sbarrier.arrive $0xFFFF;
	s2 =	simm.s32 @!p0 $0x1C06  }
0x92: {  	[timem:s3], [sflag:s2] =	dma.local @!p0 [hbm:s0], s1  }
0x93: {  	s0 =	simm.s32 @!p0 $0x6  }
0x94: {  	_ =	swait.ge @!p0 [sflag:s0], s1  }
0x95: {  	s1 =	ssub.s32 @!p0 $0x0, s1;
	[sflag:s0] =	ssyncset.done @!p0 $0x0  }
0x96: {  	[sflag:s0] =	ssyncadd.s32 @!p0 s1  }
0x97: {  	[bflag:$0x3] =	sbarrier.arrive $0xFFFF  }
0x98: {  	_ =	shalt  }

</sc_bundles>
